<compile_context>
chip_gen: v7x
topology: tpu7x:2x2x1
jax: 0.10.2.dev20260603
libtpu: 0.0.44.dev20260713+nightly
codegen_flags: <defaults>
</compile_context>

<pallas_src>
import functools

import numpy as np

import jax
import jax.numpy as jnp
from jax import lax
from jax.experimental import pallas as pl
from jax.experimental.pallas import tpu as pltpu
from jax.experimental.pallas import tpu_sc as plsc

N = 1_000_000
CHUNK = 8_000
GROUPS = CHUNK // 16
NCHUNKS = N // CHUNK
NWORKERS = 32
NSLOTS = (NCHUNKS + NWORKERS - 1) // NWORKERS
UNROLL = 16

_LO = np.array([0.0, -40.0, -3.0], np.float32)
_VS = np.array([0.05, 0.05, 0.1], np.float32)
_GRID = np.array([1408, 1600, 40], np.int32)

_mesh = plsc.VectorSubcoreMesh(core_axis_name="c", subcore_axis_name="s")


@functools.partial(
    pl.kernel,
    mesh=_mesh,
    out_type=jax.ShapeDtypeStruct((3, N), jnp.int32),
    scratch_types=[
        pltpu.VMEM((3, CHUNK), jnp.float32),
        pltpu.VMEM((3, CHUNK), jnp.float32),
        pltpu.VMEM((3, CHUNK), jnp.int32),
        pltpu.VMEM((3, CHUNK), jnp.int32),
        pltpu.SemaphoreType.DMA,
        pltpu.SemaphoreType.DMA,
        pltpu.SemaphoreType.DMA,
        pltpu.SemaphoreType.DMA,
    ],
    compiler_params=pltpu.CompilerParams(
        needs_layout_passes=False, use_tc_tiling_on_sc=False),
)
def _voxelize(in_hbm, out_hbm, in0, in1, out0, out1,
              in_sem0, in_sem1, out_sem0, out_sem1):
    nc = lax.axis_size("c")
    wid = lax.axis_index("s") * nc + lax.axis_index("c")

    def in_slice(ch):
        return in_hbm.at[pl.ds(0, 3), pl.ds(ch * CHUNK, CHUNK)]

    def out_slice(ch):
        return out_hbm.at[pl.ds(0, 3), pl.ds(ch * CHUNK, CHUNK)]

    def compute(in_buf, out_buf):
        @plsc.parallel_loop(0, GROUPS, unroll=UNROLL)
        def group_body(g):
            o = g * 16
            cs = []
            for c in range(3):
                v = in_buf[c, pl.ds(o, 16)]
                t = (v - jnp.float32(_LO[c])) / jnp.float32(_VS[c])
                cs.append(t.astype(jnp.int32))
            valid = jnp.full((16,), True, jnp.bool_)
            for c in range(3):
                valid = valid & (cs[c] >= 0) & (cs[c] < _GRID[c])
            neg1 = jnp.full((16,), -1, jnp.int32)
            for c in range(3):
                out_buf[2 - c, pl.ds(o, 16)] = jnp.where(valid, cs[c], neg1)

    def do_slot(j, in_buf, out_buf, in_sem, out_sem):
        ch = wid + j * NWORKERS

        @pl.when(ch < NCHUNKS)
        def _():
            pltpu.make_async_copy(in_slice(ch), in_buf, in_sem).wait()

            @pl.when(j >= 2)
            def _():
                pltpu.make_async_copy(out_buf, out_slice(0), out_sem).wait()

            compute(in_buf, out_buf)
            pltpu.make_async_copy(out_buf, out_slice(ch), out_sem).start()

            nch = ch + 2 * NWORKERS

            @pl.when(nch < NCHUNKS)
            def _():
                pltpu.make_async_copy(in_slice(nch), in_buf, in_sem).start()

    pltpu.make_async_copy(in_slice(wid), in0, in_sem0).start()
    pltpu.make_async_copy(in_slice(wid + NWORKERS), in1, in_sem1).start()

    def pair_body(m, _):
        do_slot(2 * m, in0, out0, in_sem0, out_sem0)
        do_slot(2 * m + 1, in1, out1, in_sem1, out_sem1)
        return 0

    lax.fori_loop(0, NSLOTS // 2, pair_body, 0)

    pltpu.make_async_copy(out0, out_slice(0), out_sem0).wait()
    pltpu.make_async_copy(out1, out_slice(0), out_sem1).wait()


def kernel(input):
    out_t = _voxelize(input.T[:3])
    return out_t.T

# --- scband reference (transcript-rebuilt; emitter-appended) ---
"""Pipeline reference for scband-voxelization-23845658427974 (READ-ONLY COPY).

The authoritative reference and input builder live on the scoring server;
editing this copy changes nothing except your own understanding.
"""

import jax, jax.numpy as jnp
import numpy as np

VOXEL_SIZE = np.array([0.05, 0.05, 0.1], dtype=np.float32)
PC_RANGE = np.array([0.0, -40.0, -3.0, 70.4, 40.0, 1.0], dtype=np.float32)


def setup_inputs(seed: int = 0) -> dict:
    key = jax.random.key(seed)
    # points uniformly in [0,1)^4 -- xyz all fall inside the point cloud range,
    # matching the distribution of in-range lidar returns near the origin
    points = jax.random.uniform(key, (1000000, 4), dtype=jnp.float32)
    return {"input": points}


def reference(input) -> jnp.ndarray:
    # Dynamic voxelization (max_num_points == -1 path of mmcv Voxelization):
    # for each point compute its integer voxel coordinate; points outside the
    # range get coordinate (-1, -1, -1). Output coordinate order is (z, y, x)
    # as produced by mmcv's dynamic_voxelize kernel (coor[NDim-1-j] = c_j).
    vs = jnp.asarray(VOXEL_SIZE)
    cr = jnp.asarray(PC_RANGE)
    grid_size = jnp.round((cr[3:] - cr[:3]) / vs).astype(jnp.int32)  # (gx, gy, gz)
    c = jnp.floor((input[:, :3] - cr[:3]) / vs).astype(jnp.int32)  # (N, 3) as (cx, cy, cz)
    valid = jnp.all((c >= 0) & (c < grid_size), axis=1, keepdims=True)  # (N, 1)
    coors = jnp.where(valid, c[:, ::-1], jnp.int32(-1))  # (N, 3) as (cz, cy, cx)
    return coors

if __name__ == "__main__":
    import jax
    _d = setup_inputs()
    print(jax.jit(kernel)(*tuple(_d.values())))

</pallas_src>

<mosaic_0001>
#map = affine_map<(d0, d1) -> (0, 0)>
module attributes {stable_mosaic.version = 14 : i64} {
  func.func @_voxelize(%arg0: i32, %arg1: i32, %arg2: memref<3x1000000xf32, #tpu.memory_space<hbm>>, %arg3: memref<3x1000000xi32, #tpu.memory_space<hbm>>, %arg4: memref<3x8000xf32, #tpu.memory_space<vmem>>, %arg5: memref<3x8000xf32, #tpu.memory_space<vmem>>, %arg6: memref<3x8000xi32, #tpu.memory_space<vmem>>, %arg7: memref<3x8000xi32, #tpu.memory_space<vmem>>, %arg8: memref<!tpu.dma_semaphore, #tpu.memory_space<semaphore_mem>>, %arg9: memref<!tpu.dma_semaphore, #tpu.memory_space<semaphore_mem>>, %arg10: memref<!tpu.dma_semaphore, #tpu.memory_space<semaphore_mem>>, %arg11: memref<!tpu.dma_semaphore, #tpu.memory_space<semaphore_mem>>) attributes {dimension_semantics = [#tpu.dimension_semantics<core_parallel>, #tpu.dimension_semantics<subcore_parallel>], iteration_bounds = array<i64: 2, 16>, scalar_prefetch = 0 : i64, scratch_operands = 8 : i64, tpu.core_type = #tpu.core_type<sc_vector_subcore>, window_params = [{transform_indices = #map}, {transform_indices = #map}]} {
    %mul3A = arith.constant 2 : i32
    %mul3A_0 = arith.muli %arg1, %mul3A : i32
    %add3A = arith.addi %mul3A_0, %arg0 : i32
    %mul3A_1 = arith.constant 8000 : i32
    %mul3A_2 = arith.muli %add3A, %mul3A_1 : i32
    %dma_start3A = arith.constant 0 : i32
    %dma_start3A_3 = tpu.memref_slice %arg2[%dma_start3A, %mul3A_2] : memref<3x1000000xf32, #tpu.memory_space<hbm>> -> memref<3x8000xf32, #tpu.memory_space<hbm>>
    %dma_start3A_4 = arith.constant 0 : i32
    %dma_start3A_5 = tpu.memref_slice %arg2[%dma_start3A_4, %mul3A_2] : memref<3x1000000xf32, #tpu.memory_space<hbm>> -> memref<3x8000xf32, #tpu.memory_space<hbm>>
    tpu.enqueue_dma source(%dma_start3A_5 : memref<3x8000xf32, #tpu.memory_space<hbm>>) target(%arg4 : memref<3x8000xf32, #tpu.memory_space<vmem>>) target_semaphore(%arg8 : memref<!tpu.dma_semaphore, #tpu.memory_space<semaphore_mem>>)
    %add3A_6 = arith.constant 32 : i32
    %add3A_7 = arith.addi %add3A, %add3A_6 : i32
    %mul3A_8 = arith.constant 8000 : i32
    %mul3A_9 = arith.muli %add3A_7, %mul3A_8 : i32
    %dma_start3A_10 = arith.constant 0 : i32
    %dma_start3A_11 = tpu.memref_slice %arg2[%dma_start3A_10, %mul3A_9] : memref<3x1000000xf32, #tpu.memory_space<hbm>> -> memref<3x8000xf32, #tpu.memory_space<hbm>>
    %dma_start3A_12 = arith.constant 0 : i32
    %dma_start3A_13 = tpu.memref_slice %arg2[%dma_start3A_12, %mul3A_9] : memref<3x1000000xf32, #tpu.memory_space<hbm>> -> memref<3x8000xf32, #tpu.memory_space<hbm>>
    tpu.enqueue_dma source(%dma_start3A_13 : memref<3x8000xf32, #tpu.memory_space<hbm>>) target(%arg5 : memref<3x8000xf32, #tpu.memory_space<vmem>>) target_semaphore(%arg9 : memref<!tpu.dma_semaphore, #tpu.memory_space<semaphore_mem>>)
    %scan3A = arith.constant 0 : i32
    %scan3A_14 = arith.constant 0 : i32
    %scan3A_15 = arith.constant 2 : i32
    %scan3A_16 = arith.addi %scan3A_14, %scan3A_15 : i32
    %scan3A_17 = arith.constant 1 : i32
    %scan3A_18 = scf.for %scan3A_31 = %scan3A_14 to %scan3A_16 step %scan3A_17 iter_args(%scan3A_32 = %scan3A) -> (i32)  : i32 {
      %mul3A_33 = arith.constant 2 : i32
      %mul3A_34 = arith.muli %mul3A_33, %scan3A_31 : i32
      %mul3A_35 = arith.constant 32 : i32
      %mul3A_36 = arith.muli %mul3A_34, %mul3A_35 : i32
      %add3A_37 = arith.addi %add3A, %mul3A_36 : i32
      %lt3A = arith.constant 125 : i32
      %lt3A_38 = arith.cmpi slt, %add3A_37, %lt3A : i32
      %convert_element_type3A = arith.extui %lt3A_38 : i1 to i32
      %cond3A = arith.constant 0 : i32
      %cond3A_39 = arith.cmpi ne, %convert_element_type3A, %cond3A : i32
      scf.if %cond3A_39 {
        %mul3A_53 = arith.constant 8000 : i32
        %mul3A_54 = arith.muli %add3A_37, %mul3A_53 : i32
        %dma_wait3A_55 = arith.constant 0 : i32
        %dma_wait3A_56 = tpu.memref_slice %arg2[%dma_wait3A_55, %mul3A_54] : memref<3x1000000xf32, #tpu.memory_space<hbm>> -> memref<3x8000xf32, #tpu.memory_space<hbm>>
        %dma_wait3A_57 = arith.constant 0 : i32
        %dma_wait3A_58 = tpu.memref_slice %arg2[%dma_wait3A_57, %mul3A_54] : memref<3x1000000xf32, #tpu.memory_space<hbm>> -> memref<3x8000xf32, #tpu.memory_space<hbm>>
        tpu.wait_dma2 semaphore(%arg8 : memref<!tpu.dma_semaphore, #tpu.memory_space<semaphore_mem>>) src(%dma_wait3A_58 : memref<3x8000xf32, #tpu.memory_space<hbm>>) dst(%arg4 : memref<3x8000xf32, #tpu.memory_space<vmem>>)
        %ge3A = arith.constant 2 : i32
        %ge3A_59 = arith.cmpi sge, %mul3A_34, %ge3A : i32
        %convert_element_type3A_60 = arith.extui %ge3A_59 : i1 to i32
        %cond3A_61 = arith.constant 0 : i32
        %cond3A_62 = arith.cmpi ne, %convert_element_type3A_60, %cond3A_61 : i32
        scf.if %cond3A_62 {
          %dma_wait3A_78 = arith.constant 0 : i32
          %dma_wait3A_79 = arith.constant 0 : i32
          %dma_wait3A_80 = tpu.memref_slice %arg3[%dma_wait3A_78, %dma_wait3A_79] : memref<3x1000000xi32, #tpu.memory_space<hbm>> -> memref<3x8000xi32, #tpu.memory_space<hbm>>
          %dma_wait3A_81 = arith.constant 0 : i32
          %dma_wait3A_82 = arith.constant 0 : i32
          %dma_wait3A_83 = tpu.memref_slice %arg3[%dma_wait3A_81, %dma_wait3A_82] : memref<3x1000000xi32, #tpu.memory_space<hbm>> -> memref<3x8000xi32, #tpu.memory_space<hbm>>
          tpu.wait_dma2 semaphore(%arg10 : memref<!tpu.dma_semaphore, #tpu.memory_space<semaphore_mem>>) src(%arg6 : memref<3x8000xi32, #tpu.memory_space<vmem>>) dst(%dma_wait3A_83 : memref<3x8000xi32, #tpu.memory_space<hbm>>)
        } else {
        }
        %parallel_loop3A = arith.constant 0 : i32
        %parallel_loop3A_63 = arith.constant 500 : i32
        %parallel_loop3A_64 = arith.constant 1 : i32
        scf.for %parallel_loop3A_78 = %parallel_loop3A to %parallel_loop3A_63 step %parallel_loop3A_64  : i32 {
          %parallel_loop3A_79 = arith.constant 16 : i32
          %parallel_loop3A_80 = arith.muli %parallel_loop3A_78, %parallel_loop3A_79 : i32
          %parallel_loop3A_81 = arith.constant 0 : i32
          %parallel_loop3A_82 = arith.index_cast %parallel_loop3A_81 : i32 to index
          %parallel_loop3A_83 = arith.index_cast %parallel_loop3A_80 : i32 to index
          %parallel_loop3A_84 = tpu.vector_load %arg4[%parallel_loop3A_82, %parallel_loop3A_83] {strides = array<i32>} : memref<3x8000xf32, #tpu.memory_space<vmem>>, vector<16xf32>,
          %parallel_loop3A_85 = arith.constant 0.000000e+00 : f32
          %parallel_loop3A_86 = vector.broadcast %parallel_loop3A_85 : f32 to vector<16xf32>
          %parallel_loop3A_87 = arith.subf %parallel_loop3A_84, %parallel_loop3A_86 : vector<16xf32>
          %parallel_loop3A_88 = arith.constant 5.000000e-02 : f32
          %parallel_loop3A_89 = vector.broadcast %parallel_loop3A_88 : f32 to vector<16xf32>
          %parallel_loop3A_90 = arith.divf %parallel_loop3A_87, %parallel_loop3A_89 : vector<16xf32>
          %parallel_loop3A_91 = arith.fptosi %parallel_loop3A_90 : vector<16xf32> to vector<16xi32>
          %parallel_loop3A_92 = arith.constant 1 : i32
          %parallel_loop3A_93 = arith.index_cast %parallel_loop3A_92 : i32 to index
          %parallel_loop3A_94 = arith.index_cast %parallel_loop3A_80 : i32 to index
          %parallel_loop3A_95 = tpu.vector_load %arg4[%parallel_loop3A_93, %parallel_loop3A_94] {strides = array<i32>} : memref<3x8000xf32, #tpu.memory_space<vmem>>, vector<16xf32>,
          %parallel_loop3A_96 = arith.constant -4.000000e+01 : f32
          %parallel_loop3A_97 = vector.broadcast %parallel_loop3A_96 : f32 to vector<16xf32>
          %parallel_loop3A_98 = arith.subf %parallel_loop3A_95, %parallel_loop3A_97 : vector<16xf32>
          %parallel_loop3A_99 = arith.constant 5.000000e-02 : f32
          %parallel_loop3A_100 = vector.broadcast %parallel_loop3A_99 : f32 to vector<16xf32>
          %parallel_loop3A_101 = arith.divf %parallel_loop3A_98, %parallel_loop3A_100 : vector<16xf32>
          %parallel_loop3A_102 = arith.fptosi %parallel_loop3A_101 : vector<16xf32> to vector<16xi32>
          %parallel_loop3A_103 = arith.constant 2 : i32
          %parallel_loop3A_104 = arith.index_cast %parallel_loop3A_103 : i32 to index
          %parallel_loop3A_105 = arith.index_cast %parallel_loop3A_80 : i32 to index
          %parallel_loop3A_106 = tpu.vector_load %arg4[%parallel_loop3A_104, %parallel_loop3A_105] {strides = array<i32>} : memref<3x8000xf32, #tpu.memory_space<vmem>>, vector<16xf32>,
          %parallel_loop3A_107 = arith.constant -3.000000e+00 : f32
          %parallel_loop3A_108 = vector.broadcast %parallel_loop3A_107 : f32 to vector<16xf32>
          %parallel_loop3A_109 = arith.subf %parallel_loop3A_106, %parallel_loop3A_108 : vector<16xf32>
          %parallel_loop3A_110 = arith.constant 1.000000e-01 : f32
          %parallel_loop3A_111 = vector.broadcast %parallel_loop3A_110 : f32 to vector<16xf32>
          %parallel_loop3A_112 = arith.divf %parallel_loop3A_109, %parallel_loop3A_111 : vector<16xf32>
          %parallel_loop3A_113 = arith.fptosi %parallel_loop3A_112 : vector<16xf32> to vector<16xi32>
          %parallel_loop3A_114 = arith.constant true
          %parallel_loop3A_115 = vector.broadcast %parallel_loop3A_114 : i1 to vector<16xi1>
          %parallel_loop3A_116 = arith.constant 0 : i32
          %parallel_loop3A_117 = vector.broadcast %parallel_loop3A_116 : i32 to vector<16xi32>
          %parallel_loop3A_118 = arith.cmpi sge, %parallel_loop3A_91, %parallel_loop3A_117 : vector<16xi32>
          %parallel_loop3A_119 = arith.andi %parallel_loop3A_115, %parallel_loop3A_118 : vector<16xi1>
          %parallel_loop3A_120 = arith.constant 1408 : i32
          %parallel_loop3A_121 = vector.broadcast %parallel_loop3A_120 : i32 to vector<16xi32>
          %parallel_loop3A_122 = arith.cmpi slt, %parallel_loop3A_91, %parallel_loop3A_121 : vector<16xi32>
          %parallel_loop3A_123 = arith.andi %parallel_loop3A_119, %parallel_loop3A_122 : vector<16xi1>
          %parallel_loop3A_124 = arith.constant 0 : i32
          %parallel_loop3A_125 = vector.broadcast %parallel_loop3A_124 : i32 to vector<16xi32>
          %parallel_loop3A_126 = arith.cmpi sge, %parallel_loop3A_102, %parallel_loop3A_125 : vector<16xi32>
          %parallel_loop3A_127 = arith.andi %parallel_loop3A_123, %parallel_loop3A_126 : vector<16xi1>
          %parallel_loop3A_128 = arith.constant 1600 : i32
          %parallel_loop3A_129 = vector.broadcast %parallel_loop3A_128 : i32 to vector<16xi32>
          %parallel_loop3A_130 = arith.cmpi slt, %parallel_loop3A_102, %parallel_loop3A_129 : vector<16xi32>
          %parallel_loop3A_131 = arith.andi %parallel_loop3A_127, %parallel_loop3A_130 : vector<16xi1>
          %parallel_loop3A_132 = arith.constant 0 : i32
          %parallel_loop3A_133 = vector.broadcast %parallel_loop3A_132 : i32 to vector<16xi32>
          %parallel_loop3A_134 = arith.cmpi sge, %parallel_loop3A_113, %parallel_loop3A_133 : vector<16xi32>
          %parallel_loop3A_135 = arith.andi %parallel_loop3A_131, %parallel_loop3A_134 : vector<16xi1>
          %parallel_loop3A_136 = arith.constant 40 : i32
          %parallel_loop3A_137 = vector.broadcast %parallel_loop3A_136 : i32 to vector<16xi32>
          %parallel_loop3A_138 = arith.cmpi slt, %parallel_loop3A_113, %parallel_loop3A_137 : vector<16xi32>
          %parallel_loop3A_139 = arith.andi %parallel_loop3A_135, %parallel_loop3A_138 : vector<16xi1>
          %parallel_loop3A_140 = arith.constant -1 : i32
          %parallel_loop3A_141 = vector.broadcast %parallel_loop3A_140 : i32 to vector<16xi32>
          %parallel_loop3A_142 = arith.select %parallel_loop3A_139, %parallel_loop3A_91, %parallel_loop3A_141 : vector<16xi1>, vector<16xi32>
          %parallel_loop3A_143 = arith.constant 2 : i32
          %parallel_loop3A_144 = arith.index_cast %parallel_loop3A_143 : i32 to index
          %parallel_loop3A_145 = arith.index_cast %parallel_loop3A_80 : i32 to index
          %parallel_loop3A_146 = tpu.vector_load %arg6[%parallel_loop3A_144, %parallel_loop3A_145] {strides = array<i32>} : memref<3x8000xi32, #tpu.memory_space<vmem>>, vector<16xi32>,
          tpu.vector_store %arg6[%parallel_loop3A_144, %parallel_loop3A_145], %parallel_loop3A_142 {strides = array<i32>} : memref<3x8000xi32, #tpu.memory_space<vmem>>, vector<16xi32>,
          %parallel_loop3A_147 = arith.select %parallel_loop3A_139, %parallel_loop3A_102, %parallel_loop3A_141 : vector<16xi1>, vector<16xi32>
          %parallel_loop3A_148 = arith.constant 1 : i32
          %parallel_loop3A_149 = arith.index_cast %parallel_loop3A_148 : i32 to index
          %parallel_loop3A_150 = arith.index_cast %parallel_loop3A_80 : i32 to index
          %parallel_loop3A_151 = tpu.vector_load %arg6[%parallel_loop3A_149, %parallel_loop3A_150] {strides = array<i32>} : memref<3x8000xi32, #tpu.memory_space<vmem>>, vector<16xi32>,
          tpu.vector_store %arg6[%parallel_loop3A_149, %parallel_loop3A_150], %parallel_loop3A_147 {strides = array<i32>} : memref<3x8000xi32, #tpu.memory_space<vmem>>, vector<16xi32>,
          %parallel_loop3A_152 = arith.select %parallel_loop3A_139, %parallel_loop3A_113, %parallel_loop3A_141 : vector<16xi1>, vector<16xi32>
          %parallel_loop3A_153 = arith.constant 0 : i32
          %parallel_loop3A_154 = arith.index_cast %parallel_loop3A_153 : i32 to index
          %parallel_loop3A_155 = arith.index_cast %parallel_loop3A_80 : i32 to index
          %parallel_loop3A_156 = tpu.vector_load %arg6[%parallel_loop3A_154, %parallel_loop3A_155] {strides = array<i32>} : memref<3x8000xi32, #tpu.memory_space<vmem>>, vector<16xi32>,
          tpu.vector_store %arg6[%parallel_loop3A_154, %parallel_loop3A_155], %parallel_loop3A_152 {strides = array<i32>} : memref<3x8000xi32, #tpu.memory_space<vmem>>, vector<16xi32>,
        } {sc.loop_unroll_factor = 16 : i64, sc.parallel_access}
        %mul3A_65 = arith.constant 8000 : i32
        %mul3A_66 = arith.muli %add3A_37, %mul3A_65 : i32
        %dma_start3A_67 = arith.constant 0 : i32
        %dma_start3A_68 = tpu.memref_slice %arg3[%dma_start3A_67, %mul3A_66] : memref<3x1000000xi32, #tpu.memory_space<hbm>> -> memref<3x8000xi32, #tpu.memory_space<hbm>>
        %dma_start3A_69 = arith.constant 0 : i32
        %dma_start3A_70 = tpu.memref_slice %arg3[%dma_start3A_69, %mul3A_66] : memref<3x1000000xi32, #tpu.memory_space<hbm>> -> memref<3x8000xi32, #tpu.memory_space<hbm>>
        tpu.enqueue_dma source(%arg6 : memref<3x8000xi32, #tpu.memory_space<vmem>>) target(%dma_start3A_70 : memref<3x8000xi32, #tpu.memory_space<hbm>>) target_semaphore(%arg10 : memref<!tpu.dma_semaphore, #tpu.memory_space<semaphore_mem>>)
        %add3A_71 = arith.constant 64 : i32
        %add3A_72 = arith.addi %add3A_37, %add3A_71 : i32
        %lt3A_73 = arith.constant 125 : i32
        %lt3A_74 = arith.cmpi slt, %add3A_72, %lt3A_73 : i32
        %convert_element_type3A_75 = arith.extui %lt3A_74 : i1 to i32
        %cond3A_76 = arith.constant 0 : i32
        %cond3A_77 = arith.cmpi ne, %convert_element_type3A_75, %cond3A_76 : i32
        scf.if %cond3A_77 {
          %mul3A_78 = arith.constant 8000 : i32
          %mul3A_79 = arith.muli %add3A_72, %mul3A_78 : i32
          %dma_start3A_80 = arith.constant 0 : i32
          %dma_start3A_81 = tpu.memref_slice %arg2[%dma_start3A_80, %mul3A_79] : memref<3x1000000xf32, #tpu.memory_space<hbm>> -> memref<3x8000xf32, #tpu.memory_space<hbm>>
          %dma_start3A_82 = arith.constant 0 : i32
          %dma_start3A_83 = tpu.memref_slice %arg2[%dma_start3A_82, %mul3A_79] : memref<3x1000000xf32, #tpu.memory_space<hbm>> -> memref<3x8000xf32, #tpu.memory_space<hbm>>
          tpu.enqueue_dma source(%dma_start3A_83 : memref<3x8000xf32, #tpu.memory_space<hbm>>) target(%arg4 : memref<3x8000xf32, #tpu.memory_space<vmem>>) target_semaphore(%arg8 : memref<!tpu.dma_semaphore, #tpu.memory_space<semaphore_mem>>)
        } else {
        }
      } else {
      }
      %mul3A_40 = arith.constant 2 : i32
      %mul3A_41 = arith.muli %mul3A_40, %scan3A_31 : i32
      %add3A_42 = arith.constant 1 : i32
      %add3A_43 = arith.addi %mul3A_41, %add3A_42 : i32
      %mul3A_44 = arith.constant 32 : i32
      %mul3A_45 = arith.muli %add3A_43, %mul3A_44 : i32
      %add3A_46 = arith.addi %add3A, %mul3A_45 : i32
      %lt3A_47 = arith.constant 125 : i32
      %lt3A_48 = arith.cmpi slt, %add3A_46, %lt3A_47 : i32
      %convert_element_type3A_49 = arith.extui %lt3A_48 : i1 to i32
      %cond3A_50 = arith.constant 0 : i32
      %cond3A_51 = arith.cmpi ne, %convert_element_type3A_49, %cond3A_50 : i32
      scf.if %cond3A_51 {
        %mul3A_53 = arith.constant 8000 : i32
        %mul3A_54 = arith.muli %add3A_46, %mul3A_53 : i32
        %dma_wait3A_55 = arith.constant 0 : i32
        %dma_wait3A_56 = tpu.memref_slice %arg2[%dma_wait3A_55, %mul3A_54] : memref<3x1000000xf32, #tpu.memory_space<hbm>> -> memref<3x8000xf32, #tpu.memory_space<hbm>>
        %dma_wait3A_57 = arith.constant 0 : i32
        %dma_wait3A_58 = tpu.memref_slice %arg2[%dma_wait3A_57, %mul3A_54] : memref<3x1000000xf32, #tpu.memory_space<hbm>> -> memref<3x8000xf32, #tpu.memory_space<hbm>>
        tpu.wait_dma2 semaphore(%arg9 : memref<!tpu.dma_semaphore, #tpu.memory_space<semaphore_mem>>) src(%dma_wait3A_58 : memref<3x8000xf32, #tpu.memory_space<hbm>>) dst(%arg5 : memref<3x8000xf32, #tpu.memory_space<vmem>>)
        %ge3A = arith.constant 2 : i32
        %ge3A_59 = arith.cmpi sge, %add3A_43, %ge3A : i32
        %convert_element_type3A_60 = arith.extui %ge3A_59 : i1 to i32
        %cond3A_61 = arith.constant 0 : i32
        %cond3A_62 = arith.cmpi ne, %convert_element_type3A_60, %cond3A_61 : i32
        scf.if %cond3A_62 {
          %dma_wait3A_78 = arith.constant 0 : i32
          %dma_wait3A_79 = arith.constant 0 : i32
          %dma_wait3A_80 = tpu.memref_slice %arg3[%dma_wait3A_78, %dma_wait3A_79] : memref<3x1000000xi32, #tpu.memory_space<hbm>> -> memref<3x8000xi32, #tpu.memory_space<hbm>>
          %dma_wait3A_81 = arith.constant 0 : i32
          %dma_wait3A_82 = arith.constant 0 : i32
          %dma_wait3A_83 = tpu.memref_slice %arg3[%dma_wait3A_81, %dma_wait3A_82] : memref<3x1000000xi32, #tpu.memory_space<hbm>> -> memref<3x8000xi32, #tpu.memory_space<hbm>>
          tpu.wait_dma2 semaphore(%arg11 : memref<!tpu.dma_semaphore, #tpu.memory_space<semaphore_mem>>) src(%arg7 : memref<3x8000xi32, #tpu.memory_space<vmem>>) dst(%dma_wait3A_83 : memref<3x8000xi32, #tpu.memory_space<hbm>>)
        } else {
        }
        %parallel_loop3A = arith.constant 0 : i32
        %parallel_loop3A_63 = arith.constant 500 : i32
        %parallel_loop3A_64 = arith.constant 1 : i32
        scf.for %parallel_loop3A_78 = %parallel_loop3A to %parallel_loop3A_63 step %parallel_loop3A_64  : i32 {
          %parallel_loop3A_79 = arith.constant 16 : i32
          %parallel_loop3A_80 = arith.muli %parallel_loop3A_78, %parallel_loop3A_79 : i32
          %parallel_loop3A_81 = arith.constant 0 : i32
          %parallel_loop3A_82 = arith.index_cast %parallel_loop3A_81 : i32 to index
          %parallel_loop3A_83 = arith.index_cast %parallel_loop3A_80 : i32 to index
          %parallel_loop3A_84 = tpu.vector_load %arg5[%parallel_loop3A_82, %parallel_loop3A_83] {strides = array<i32>} : memref<3x8000xf32, #tpu.memory_space<vmem>>, vector<16xf32>,
          %parallel_loop3A_85 = arith.constant 0.000000e+00 : f32
          %parallel_loop3A_86 = vector.broadcast %parallel_loop3A_85 : f32 to vector<16xf32>
          %parallel_loop3A_87 = arith.subf %parallel_loop3A_84, %parallel_loop3A_86 : vector<16xf32>
          %parallel_loop3A_88 = arith.constant 5.000000e-02 : f32
          %parallel_loop3A_89 = vector.broadcast %parallel_loop3A_88 : f32 to vector<16xf32>
          %parallel_loop3A_90 = arith.divf %parallel_loop3A_87, %parallel_loop3A_89 : vector<16xf32>
          %parallel_loop3A_91 = arith.fptosi %parallel_loop3A_90 : vector<16xf32> to vector<16xi32>
          %parallel_loop3A_92 = arith.constant 1 : i32
          %parallel_loop3A_93 = arith.index_cast %parallel_loop3A_92 : i32 to index
          %parallel_loop3A_94 = arith.index_cast %parallel_loop3A_80 : i32 to index
          %parallel_loop3A_95 = tpu.vector_load %arg5[%parallel_loop3A_93, %parallel_loop3A_94] {strides = array<i32>} : memref<3x8000xf32, #tpu.memory_space<vmem>>, vector<16xf32>,
          %parallel_loop3A_96 = arith.constant -4.000000e+01 : f32
          %parallel_loop3A_97 = vector.broadcast %parallel_loop3A_96 : f32 to vector<16xf32>
          %parallel_loop3A_98 = arith.subf %parallel_loop3A_95, %parallel_loop3A_97 : vector<16xf32>
          %parallel_loop3A_99 = arith.constant 5.000000e-02 : f32
          %parallel_loop3A_100 = vector.broadcast %parallel_loop3A_99 : f32 to vector<16xf32>
          %parallel_loop3A_101 = arith.divf %parallel_loop3A_98, %parallel_loop3A_100 : vector<16xf32>
          %parallel_loop3A_102 = arith.fptosi %parallel_loop3A_101 : vector<16xf32> to vector<16xi32>
          %parallel_loop3A_103 = arith.constant 2 : i32
          %parallel_loop3A_104 = arith.index_cast %parallel_loop3A_103 : i32 to index
          %parallel_loop3A_105 = arith.index_cast %parallel_loop3A_80 : i32 to index
          %parallel_loop3A_106 = tpu.vector_load %arg5[%parallel_loop3A_104, %parallel_loop3A_105] {strides = array<i32>} : memref<3x8000xf32, #tpu.memory_space<vmem>>, vector<16xf32>,
          %parallel_loop3A_107 = arith.constant -3.000000e+00 : f32
          %parallel_loop3A_108 = vector.broadcast %parallel_loop3A_107 : f32 to vector<16xf32>
          %parallel_loop3A_109 = arith.subf %parallel_loop3A_106, %parallel_loop3A_108 : vector<16xf32>
          %parallel_loop3A_110 = arith.constant 1.000000e-01 : f32
          %parallel_loop3A_111 = vector.broadcast %parallel_loop3A_110 : f32 to vector<16xf32>
          %parallel_loop3A_112 = arith.divf %parallel_loop3A_109, %parallel_loop3A_111 : vector<16xf32>
          %parallel_loop3A_113 = arith.fptosi %parallel_loop3A_112 : vector<16xf32> to vector<16xi32>
          %parallel_loop3A_114 = arith.constant true
          %parallel_loop3A_115 = vector.broadcast %parallel_loop3A_114 : i1 to vector<16xi1>
          %parallel_loop3A_116 = arith.constant 0 : i32
          %parallel_loop3A_117 = vector.broadcast %parallel_loop3A_116 : i32 to vector<16xi32>
          %parallel_loop3A_118 = arith.cmpi sge, %parallel_loop3A_91, %parallel_loop3A_117 : vector<16xi32>
          %parallel_loop3A_119 = arith.andi %parallel_loop3A_115, %parallel_loop3A_118 : vector<16xi1>
          %parallel_loop3A_120 = arith.constant 1408 : i32
          %parallel_loop3A_121 = vector.broadcast %parallel_loop3A_120 : i32 to vector<16xi32>
          %parallel_loop3A_122 = arith.cmpi slt, %parallel_loop3A_91, %parallel_loop3A_121 : vector<16xi32>
          %parallel_loop3A_123 = arith.andi %parallel_loop3A_119, %parallel_loop3A_122 : vector<16xi1>
          %parallel_loop3A_124 = arith.constant 0 : i32
          %parallel_loop3A_125 = vector.broadcast %parallel_loop3A_124 : i32 to vector<16xi32>
          %parallel_loop3A_126 = arith.cmpi sge, %parallel_loop3A_102, %parallel_loop3A_125 : vector<16xi32>
          %parallel_loop3A_127 = arith.andi %parallel_loop3A_123, %parallel_loop3A_126 : vector<16xi1>
          %parallel_loop3A_128 = arith.constant 1600 : i32
          %parallel_loop3A_129 = vector.broadcast %parallel_loop3A_128 : i32 to vector<16xi32>
          %parallel_loop3A_130 = arith.cmpi slt, %parallel_loop3A_102, %parallel_loop3A_129 : vector<16xi32>
          %parallel_loop3A_131 = arith.andi %parallel_loop3A_127, %parallel_loop3A_130 : vector<16xi1>
          %parallel_loop3A_132 = arith.constant 0 : i32
          %parallel_loop3A_133 = vector.broadcast %parallel_loop3A_132 : i32 to vector<16xi32>
          %parallel_loop3A_134 = arith.cmpi sge, %parallel_loop3A_113, %parallel_loop3A_133 : vector<16xi32>
          %parallel_loop3A_135 = arith.andi %parallel_loop3A_131, %parallel_loop3A_134 : vector<16xi1>
          %parallel_loop3A_136 = arith.constant 40 : i32
          %parallel_loop3A_137 = vector.broadcast %parallel_loop3A_136 : i32 to vector<16xi32>
          %parallel_loop3A_138 = arith.cmpi slt, %parallel_loop3A_113, %parallel_loop3A_137 : vector<16xi32>
          %parallel_loop3A_139 = arith.andi %parallel_loop3A_135, %parallel_loop3A_138 : vector<16xi1>
          %parallel_loop3A_140 = arith.constant -1 : i32
          %parallel_loop3A_141 = vector.broadcast %parallel_loop3A_140 : i32 to vector<16xi32>
          %parallel_loop3A_142 = arith.select %parallel_loop3A_139, %parallel_loop3A_91, %parallel_loop3A_141 : vector<16xi1>, vector<16xi32>
          %parallel_loop3A_143 = arith.constant 2 : i32
          %parallel_loop3A_144 = arith.index_cast %parallel_loop3A_143 : i32 to index
          %parallel_loop3A_145 = arith.index_cast %parallel_loop3A_80 : i32 to index
          %parallel_loop3A_146 = tpu.vector_load %arg7[%parallel_loop3A_144, %parallel_loop3A_145] {strides = array<i32>} : memref<3x8000xi32, #tpu.memory_space<vmem>>, vector<16xi32>,
          tpu.vector_store %arg7[%parallel_loop3A_144, %parallel_loop3A_145], %parallel_loop3A_142 {strides = array<i32>} : memref<3x8000xi32, #tpu.memory_space<vmem>>, vector<16xi32>,
          %parallel_loop3A_147 = arith.select %parallel_loop3A_139, %parallel_loop3A_102, %parallel_loop3A_141 : vector<16xi1>, vector<16xi32>
          %parallel_loop3A_148 = arith.constant 1 : i32
          %parallel_loop3A_149 = arith.index_cast %parallel_loop3A_148 : i32 to index
          %parallel_loop3A_150 = arith.index_cast %parallel_loop3A_80 : i32 to index
          %parallel_loop3A_151 = tpu.vector_load %arg7[%parallel_loop3A_149, %parallel_loop3A_150] {strides = array<i32>} : memref<3x8000xi32, #tpu.memory_space<vmem>>, vector<16xi32>,
          tpu.vector_store %arg7[%parallel_loop3A_149, %parallel_loop3A_150], %parallel_loop3A_147 {strides = array<i32>} : memref<3x8000xi32, #tpu.memory_space<vmem>>, vector<16xi32>,
          %parallel_loop3A_152 = arith.select %parallel_loop3A_139, %parallel_loop3A_113, %parallel_loop3A_141 : vector<16xi1>, vector<16xi32>
          %parallel_loop3A_153 = arith.constant 0 : i32
          %parallel_loop3A_154 = arith.index_cast %parallel_loop3A_153 : i32 to index
          %parallel_loop3A_155 = arith.index_cast %parallel_loop3A_80 : i32 to index
          %parallel_loop3A_156 = tpu.vector_load %arg7[%parallel_loop3A_154, %parallel_loop3A_155] {strides = array<i32>} : memref<3x8000xi32, #tpu.memory_space<vmem>>, vector<16xi32>,
          tpu.vector_store %arg7[%parallel_loop3A_154, %parallel_loop3A_155], %parallel_loop3A_152 {strides = array<i32>} : memref<3x8000xi32, #tpu.memory_space<vmem>>, vector<16xi32>,
        } {sc.loop_unroll_factor = 16 : i64, sc.parallel_access}
        %mul3A_65 = arith.constant 8000 : i32
        %mul3A_66 = arith.muli %add3A_46, %mul3A_65 : i32
        %dma_start3A_67 = arith.constant 0 : i32
        %dma_start3A_68 = tpu.memref_slice %arg3[%dma_start3A_67, %mul3A_66] : memref<3x1000000xi32, #tpu.memory_space<hbm>> -> memref<3x8000xi32, #tpu.memory_space<hbm>>
        %dma_start3A_69 = arith.constant 0 : i32
        %dma_start3A_70 = tpu.memref_slice %arg3[%dma_start3A_69, %mul3A_66] : memref<3x1000000xi32, #tpu.memory_space<hbm>> -> memref<3x8000xi32, #tpu.memory_space<hbm>>
        tpu.enqueue_dma source(%arg7 : memref<3x8000xi32, #tpu.memory_space<vmem>>) target(%dma_start3A_70 : memref<3x8000xi32, #tpu.memory_space<hbm>>) target_semaphore(%arg11 : memref<!tpu.dma_semaphore, #tpu.memory_space<semaphore_mem>>)
        %add3A_71 = arith.constant 64 : i32
        %add3A_72 = arith.addi %add3A_46, %add3A_71 : i32
        %lt3A_73 = arith.constant 125 : i32
        %lt3A_74 = arith.cmpi slt, %add3A_72, %lt3A_73 : i32
        %convert_element_type3A_75 = arith.extui %lt3A_74 : i1 to i32
        %cond3A_76 = arith.constant 0 : i32
        %cond3A_77 = arith.cmpi ne, %convert_element_type3A_75, %cond3A_76 : i32
        scf.if %cond3A_77 {
          %mul3A_78 = arith.constant 8000 : i32
          %mul3A_79 = arith.muli %add3A_72, %mul3A_78 : i32
          %dma_start3A_80 = arith.constant 0 : i32
          %dma_start3A_81 = tpu.memref_slice %arg2[%dma_start3A_80, %mul3A_79] : memref<3x1000000xf32, #tpu.memory_space<hbm>> -> memref<3x8000xf32, #tpu.memory_space<hbm>>
          %dma_start3A_82 = arith.constant 0 : i32
          %dma_start3A_83 = tpu.memref_slice %arg2[%dma_start3A_82, %mul3A_79] : memref<3x1000000xf32, #tpu.memory_space<hbm>> -> memref<3x8000xf32, #tpu.memory_space<hbm>>
          tpu.enqueue_dma source(%dma_start3A_83 : memref<3x8000xf32, #tpu.memory_space<hbm>>) target(%arg5 : memref<3x8000xf32, #tpu.memory_space<vmem>>) target_semaphore(%arg9 : memref<!tpu.dma_semaphore, #tpu.memory_space<semaphore_mem>>)
        } else {
        }
      } else {
      }
      %scan3A_52 = arith.constant 0 : i32
      scf.yield %scan3A_52 : i32
    }
    %scan3A_19 = arith.constant 2 : i32
    %dma_wait3A = arith.constant 0 : i32
    %dma_wait3A_20 = arith.constant 0 : i32
    %dma_wait3A_21 = tpu.memref_slice %arg3[%dma_wait3A, %dma_wait3A_20] : memref<3x1000000xi32, #tpu.memory_space<hbm>> -> memref<3x8000xi32, #tpu.memory_space<hbm>>
    %dma_wait3A_22 = arith.constant 0 : i32
    %dma_wait3A_23 = arith.constant 0 : i32
    %dma_wait3A_24 = tpu.memref_slice %arg3[%dma_wait3A_22, %dma_wait3A_23] : memref<3x1000000xi32, #tpu.memory_space<hbm>> -> memref<3x8000xi32, #tpu.memory_space<hbm>>
    tpu.wait_dma2 semaphore(%arg10 : memref<!tpu.dma_semaphore, #tpu.memory_space<semaphore_mem>>) src(%arg6 : memref<3x8000xi32, #tpu.memory_space<vmem>>) dst(%dma_wait3A_24 : memref<3x8000xi32, #tpu.memory_space<hbm>>)
    %dma_wait3A_25 = arith.constant 0 : i32
    %dma_wait3A_26 = arith.constant 0 : i32
    %dma_wait3A_27 = tpu.memref_slice %arg3[%dma_wait3A_25, %dma_wait3A_26] : memref<3x1000000xi32, #tpu.memory_space<hbm>> -> memref<3x8000xi32, #tpu.memory_space<hbm>>
    %dma_wait3A_28 = arith.constant 0 : i32
    %dma_wait3A_29 = arith.constant 0 : i32
    %dma_wait3A_30 = tpu.memref_slice %arg3[%dma_wait3A_28, %dma_wait3A_29] : memref<3x1000000xi32, #tpu.memory_space<hbm>> -> memref<3x8000xi32, #tpu.memory_space<hbm>>
    tpu.wait_dma2 semaphore(%arg11 : memref<!tpu.dma_semaphore, #tpu.memory_space<semaphore_mem>>) src(%arg7 : memref<3x8000xi32, #tpu.memory_space<vmem>>) dst(%dma_wait3A_30 : memref<3x8000xi32, #tpu.memory_space<hbm>>)
    return
  }
}

</mosaic_0001>

<sc_bundles>
// kernel: kernel.3.cloned.1.call-start
scs
__scs_entry_jumppad:
0x0: {  	(pc) =	sbr.rel $0x88, $3  }
0x1: {  	(tag) =	ssettag $0x0;
	lr =	simm.s32 $0x1  }
0x2: {  	[smem:$0x3FA0] =	sst lr;
	_ =	strace $0xD0000000  }
0x3: {  	_ = 	snop  }
0x4: {  	_ = 	snop  }
0x5: {  	_ = 	snop  }
0x6: {  	_ = 	snop  }
0x7: {  	_ = 	snop  }
__scs_overlays_trampoline_lowered:
0x8: {  	[smem:$0x3FAF] =	sst s0  }
0x9: {  	[smem:$0x3FB0] =	sst s1  }
0xa: {  	[smem:$0x3FB1] =	sst s2  }
0xb: {  	[smem:$0x3FB2] =	sst s3  }
0xc: {  	[smem:$0x3FB3] =	sst s4  }
0xd: {  	[smem:$0x3FB4] =	sst s5  }
0xe: {  	[smem:$0x3FB5] =	sst s6  }
0xf: {  	[smem:$0x3FB6] =	sst s7  }
0x10: {  	[smem:$0x3FB7] =	sst s8  }
0x11: {  	[smem:$0x3FB8] =	sst s9;
	s0 =	simm.s32 @!p0 $0x0  }
0x12: {  	s1 =	sld [smem:$0x3F9E];
	s0 =	simm.s32 @p0 $0x1  }
0x13: {  	[smem:$0x3FB9] =	sst s0;
	s0 =	simm.s32 @!p1 $0x0  }
0x14: {  	s2 =	sld [smem:$0x3F9D];
	s0 =	simm.s32 @p1 $0x1  }
0x15: {  	[smem:$0x3FBA] =	sst s0;
	s0 =	simm.s32 @!p2 $0x0  }
0x16: {  	s3 =	sld [smem:$0x3FDB];
	s0 =	simm.s32 @p2 $0x1  }
0x17: {  	s4 =	simm.s32 $0x1BF5;
	[smem:$0x3FBC] =	sst s0  }
0x18: {  	s0 =	sld [smem:$0x3F9F];
	_ =	swait.ge [sflag:s4], $0x0  }
0x19: {  	s7 =	sld [smem:$0x3FA0]  }
0x1a: {  	s8 =	sadd.s32 $0xFFFFE003, lr  }
0x1b: {  	s9 =	sadd.s32 $0xFFFFFEF7, lr;
	s5 =	simm.s32 $0xFFFFFFFF;
	p2 =	slt.u32 s8, $0xFFFFF086  }
0x1c: {  	p1 =	slt.u32 s9, $0xF7A;
	s5 =	simm.s32 @!p2 $0x0  }
0x1d: {  	s5 =	simm.s32 @p1 $0x1;
	p0 =	seq.s32 s7, s2  }
0x1e: {  	s7 =	smul.u32 @!p0 $0xF7A, s2;
	p2 =	seq.s32 @!p0 s5, $0x0  }
0x1f: {  	s9 =	smul.u32 $0xF7A, s1;
	s8 =	simm.s32 @!p0 $0x1BF5;
	p2 =	por !p2, p0  }
0x20: {  	[sflag:s8] =	ssyncset.s32 @!p0 $0xFFFFF086;
	s6 =	sadd.s32 @!p0 s3, s7;
	s7 =	simm.s32 @!p0 $0x108  }
0x21: {  	s3 =	sadd.s32 s3, s9;
	s6 =	sadd.s32 @!p0 $0x88, s6;
	s7 =	simm.s32 @p2 $0x1082  }
0x22: {  	[simem:s7], [sflag:s8] =	dma.local @!p0 [hbm:s6], $0xF7A  }
0x23: {  	s9 =	sor.u32 $0xD0000000, s2;
	s6 =	simm.s32 $0x108;
	_ =	swait.ge @!p0 [sflag:s8], $0x0  }
0x24: {  	s3 =	sadd.s32 $0x88, s3;
	s6 =	simm.s32 @!p1 $0x1082;
	[sflag:s4] =	ssyncset.s32 $0xFFFFF086  }
0x25: {  	[simem:s6], [sflag:s4] =	dma.local [hbm:s3], $0xF7A  }
0x26: {  	[smem:$0x3FA0] =	sst s1;
	(tag) =	ssettag s2;
	_ =	strace s9  }
0x27: {  	s1 =	sld [smem:$0x3FB0]  }
0x28: {  	s2 =	sld [smem:$0x3FB1]  }
0x29: {  	s4 =	sld [smem:$0x3FB3]  }
0x2a: {  	p0 =	seq.s32 s5, $0x0;
	s5 =	sld [smem:$0x3FB4]  }
0x2b: {  	s6 =	sld [smem:$0x3FB5]  }
0x2c: {  	s7 =	sld [smem:$0x3FB6]  }
0x2d: {  	s3 =	simm.s32 $0x108;
	s8 =	sld [smem:$0x3FB7]  }
0x2e: {  	s3 =	simm.s32 @!p0 $0x1082;
	s9 =	sld [smem:$0x3FB8]  }
0x2f: {  	lr =	sadd.s32 s0, s3;
	s0 =	sld [smem:$0x3FAF]  }
0x30: {  	s3 =	sld [smem:$0x3FB2]  }
0x31: {  	[smem:$0x3FBB] =	sst s10  }
0x32: {  	s10 =	sld [smem:$0x3FB9];
	_ =	sdelay $0x3  }
0x33: {  	p0 =	seq.s32 s10, $0x1;
	s10 =	sld [smem:$0x3FBB];
	_ =	sdelay $0x3  }
0x34: {  	[smem:$0x3FBB] =	sst s10  }
0x35: {  	s10 =	sld [smem:$0x3FBA];
	_ =	sdelay $0x3  }
0x36: {  	p1 =	seq.s32 s10, $0x1;
	s10 =	sld [smem:$0x3FBB];
	_ =	sdelay $0x3  }
0x37: {  	[smem:$0x3FBB] =	sst s10  }
0x38: {  	s10 =	sld [smem:$0x3FBC]  }
0x39: {  	_ = 	snop;
	(pc) =	sbr.ind lr, $3  }
0x3a: {  	_ = 	snop  }
0x3b: {  	_ = 	snop  }
0x3c: {  	p2 =	seq.s32 s10, $0x1;
	s10 =	sld [smem:$0x3FBB]  }
0x3d: {  	_ =	shalt  }
0x3e: {  	_ =	shalt  }
0x3f: {  	_ =	shalt  }
0x40: {  	_ =	shalt  }
0x41: {  	_ =	shalt  }
0x42: {  	_ =	shalt  }
0x43: {  	_ =	shalt  }
0x44: {  	_ =	shalt  }
0x45: {  	_ =	shalt  }
0x46: {  	_ =	shalt  }
0x47: {  	_ =	shalt  }
0x48: {  	_ =	shalt  }
0x49: {  	_ =	shalt  }
0x4a: {  	_ =	shalt  }
0x4b: {  	_ =	shalt  }
0x4c: {  	_ =	shalt  }
0x4d: {  	_ =	shalt  }
0x4e: {  	_ =	shalt  }
0x4f: {  	_ =	shalt  }
0x50: {  	_ =	shalt  }
0x51: {  	_ =	shalt  }
0x52: {  	_ =	shalt  }
0x53: {  	_ =	shalt  }
0x54: {  	_ =	shalt  }
0x55: {  	_ =	shalt  }
0x56: {  	_ =	shalt  }
0x57: {  	_ =	shalt  }
0x58: {  	_ =	shalt  }
0x59: {  	_ =	shalt  }
0x5a: {  	_ =	shalt  }
0x5b: {  	_ =	shalt  }
0x5c: {  	_ =	shalt  }
0x5d: {  	_ =	shalt  }
0x5e: {  	_ =	shalt  }
0x5f: {  	_ =	shalt  }
0x60: {  	_ =	shalt  }
0x61: {  	_ =	shalt  }
0x62: {  	_ =	shalt  }
0x63: {  	_ =	shalt  }
0x64: {  	_ =	shalt  }
0x65: {  	_ =	shalt  }
0x66: {  	_ =	shalt  }
0x67: {  	_ =	shalt  }
0x68: {  	_ =	shalt  }
0x69: {  	_ =	shalt  }
0x6a: {  	_ =	shalt  }
0x6b: {  	_ =	shalt  }
0x6c: {  	_ =	shalt  }
0x6d: {  	_ =	shalt  }
0x6e: {  	_ =	shalt  }
0x6f: {  	_ =	shalt  }
0x70: {  	_ =	shalt  }
0x71: {  	_ =	shalt  }
0x72: {  	_ =	shalt  }
0x73: {  	_ =	shalt  }
0x74: {  	_ =	shalt  }
0x75: {  	_ =	shalt  }
0x76: {  	_ =	shalt  }
0x77: {  	_ =	shalt  }
0x78: {  	_ =	shalt  }
0x79: {  	_ =	shalt  }
0x7a: {  	_ =	shalt  }
0x7b: {  	_ =	shalt  }
0x7c: {  	_ =	shalt  }
0x7d: {  	_ =	shalt  }
0x7e: {  	_ =	shalt  }
0x7f: {  	_ =	shalt  }
0x80: {  	_ =	shalt  }
0x81: {  	_ =	shalt  }
0x82: {  	_ =	shalt  }
0x83: {  	_ =	shalt  }
0x84: {  	_ =	shalt  }
0x85: {  	_ =	shalt  }
0x86: {  	_ =	shalt  }
0x87: {  	_ =	shalt  }
.Lfunc_end0:
.L_simem_size_0:
called_computation_lowered:
.L_overlay_start_0:
0x88: {  	s2 =	sld [smem:$0x3FD9]  }
0x89: {  	s3 =	sld [smem:$0x3FFE];
	_ =	sdelay $0x1  }
0x8a: {  	s1 =	srdreg.scid  }
0x8b: {  	s0 =	sand.u32 $0x1, s1  }
0x8c: {  	s17 =	sshll.u32 s0, $0xA;
	s2 =	sadd.s32 s3, s2  }
0x8d: {  	s2 =	sadd.s32 s2, s17  }
0x8e: {  	[smem:$0x3FC7] =	sst s2  }
0x8f: {  	_ = 	snop  }
0x90: {  	s2 =	sld [smem:$0x3FD0];
	(tm) =	ssettm $0x1  }
0x91: {  	s18 =	sld [smem:$0x3FFB];
	_ =	sdelay $0x3  }
0x92: {  	_ =	strace s18  }
0x93: {  	s3 =	sld [smem:$0x3FFC];
	_ =	sdelay $0x3  }
0x94: {  	_ =	strace s3  }
0x95: {  	s3 =	sld [smem:$0x3FFD];
	_ =	sdelay $0x3  }
0x96: {  	_ =	strace s3  }
0x97: {  	_ =	strace $0x8FFFFFFF  }
0x98: {  	s19 =	sld [smem:$0x3FDB];
	_ =	sdelay $0x1  }
0x99: {  	s4 =	simm.s32 $_scs_section_size  }
0x9a: {  	s5 =	simm.s32 $_size__tile_overlayer_lowered;
	s6 =	simm.s32 $_tile_overlayer_lowered  }
0x9b: {  	s22 =	simm.s32 $0x1BFF;
	s21 =	sshll.u32 s6, $0x1;
	s3 =	sadd.s32 s4, s19  }
0x9c: {  	s7 =	simm.s32 $0x0;
	s20 =	sshll.u32 s5, $0x1;
	s5 =	sadd.s32 s21, s3  }
0x9d: {  	[timem:s7], [sflag:s22] =	dma.local [hbm:s5], s20  }
0x9e: {  	_ =	swait.ge [sflag:s22], s20  }
0x9f: {  	s4 =	ssub.s32 $0x0, s20;
	[sflag:s22] =	ssyncset.done $0x0  }
0xa0: {  	[sflag:s22] =	ssyncadd.s32 s4;
	_ =	sdelay $0x1  }
0xa1: {  	s23 =	simm.s32 $0x1B8B  }
0xa2: {  	_ =	swait.ge [sflag:s23], $0x1  }
0xa3: {  	[sflag:s23] =	ssyncset.done $0x0  }
0xa4: {  	s25 =	simm.s32 $0x1B8E;
	s24 =	sld [smem:$0x3FFE];
	[sflag:s23] =	ssyncadd.s32 $0xFFFFFFFF  }
0xa5: {  	s26 =	simm.s32 $execute0_lowered;
	[smem:$0x3FD2] =	sst s25  }
0xa6: {  	s5 =	sshll.u32 s26, $0x1;
	_ =	strace $0x80000046;
	[dreg:$0x1] =	wrdreg $0xFFFFFFFF  }
0xa7: {  	s28 =	simm.s32 $_size_execute0_lowered;
	s3 =	sadd.s32 s3, s5;
	[dreg:$0x0] =	wrdreg $0x0  }
0xa8: {  	s5 =	sshll.u32 s28, $0x1;
	[dreg:$0x2] =	wrdreg s3  }
0xa9: {  	[dreg:$0x3] =	wrdreg s5  }
0xaa: {  	[dreg:$0x4] =	wrdreg $0xC0  }
0xab: {  	_ =	task [dreg:s7], $0x5FFFF  }
0xac: {  	[dreg:$0x1] =	wrdreg $0xFFFFFFFF  }
0xad: {  	[dreg:$0x0] =	wrdreg $0x60  }
0xae: {  	[dreg:$0x2] =	wrdreg s2  }
0xaf: {  	[dreg:$0x3] =	wrdreg s24  }
0xb0: {  	[dreg:$0x4] =	wrdreg $0x9  }
0xb1: {  	_ =	task.clear_ibuf [dreg:s7], $0x5FFFF;
	_ =	strace $0x90000046  }
0xb2: {  	s29 =	simm.s32 $0x9;
	_ =	strace $0x80000048  }
0xb3: {  	_ =	swait.ge [sflag:s29], $0x1  }
0xb4: {  	[sflag:s29] =	ssyncadd.s32 $0xFFFFFFFF  }
0xb5: {  	_ =	strace $0x90000048  }
0xb6: {  	_ =	sfence  }
0xb7: {  	s30 =	sld [smem:$0x0];
	_ =	sdelay $0x2  }
0xb8: {  	s31 =	sshll.u32 s1, $0xD;
	s1 =	sshrl.u32 s1, $0x2  }
0xb9: {  	s3 =	sand.u32 $0x4000, s31;
	s1 =	sadd.s32 s1, s30  }
0xba: {  	s0 =	sor.u32 s3, s0;
	s1 =	sshll.u32 s1, $0x11  }
0xbb: {  	s0 =	sor.u32 s1, s0  }
0xbc: {  	s0 =	sadd.s32 $0x8F2B, s0  }
0xbd: {  	[sflag:s0] =	ssyncadd.remote.s32 $0x1  }
0xbe: {  	_ =	sfence.sel $0xFFFF  }
0xbf: {  	[dreg:$0x0] =	wrdreg $0xFFFFFFFF;
	(pc) =	sbr.abs _section_cstart, $3  }
0xc0: {  	[dreg:$0x1] =	wrdreg $0xFFFFFFFF  }
0xc1: {  	_ =	task.clear_ibuf [dreg:s7], $0x2FFFF;
	_ =	strace $0x9FFFFFFF  }
0xc2: {  	(tm) =	ssettm $0x7FFFFFFF  }
0xc3: {  	_ =	shalt  }
tec
execute0_lowered:
.L_overlay_start_1:
0x0: {  	(tag) =	ssettag $0x1  }
0x1: {  	s1 =	rddreg [dreg:$0x0]  }
0x2: {  	s5 =	rddreg [dreg:$0x1];
	s3 =	simm.s32 $0x0  }
0x3: {  	[smem:$0x7FF] =	sst s3  }
0x4: {  	s0 =	rddreg [dreg:$0x2];
	v0 =	vimm.f32 $5.000000070e-02;
	_ =	strace $0x80000047  }
0x5: {  	(erf) = vrcp.f32 v0;
	v0 =	vimm.f32 $1.000000010e-01  }
0x6: {  	s4 =	srdreg.scid;
	(erf) = vrcp.f32 v0  }
0x7: {  	s2 =	stileid.u32;
	s11 =	simm.s32 $0xF4240;
	s12 =	simm.s32 $0x5DC0  }
0x8: {  	s13 =	simm.s32 $0x1;
	s6 =	sand.u32 $0x1, s4;
	s31 =	sshll.u32 s2, $0x1  }
0x9: {  	s14 =	simm.s32 $0xBB80;
	s15 =	simm.s32 $0x2;
	s4 =	sor.u32 s6, s31  }
0xa: {  	s16 =	simm.s32 $0x11940;
	s17 =	simm.s32 $0x3;
	s7 =	smul.u32 $0x1F40, s4  }
.Ltmp0:
0xb: {  	s18 =	simm.s32 $0x4;
	s6 =	ssub.s32 $0x2, s6;
	(pc) =	sbr.rel .LBB2_1-.Ltmp0, $4  }
0xc: {  	s19 =	simm.s32 $0x0;
	s8 =	smul.u32 $0x3E8, s4;
	s9 =	sshrl.u32 s6, $0x1  }
0xd: {  	s5 =	sadd.s32 $0x400, s5;
	s9 =	ssub.s32 s6, s9;
	s7 =	sshrl.u32 s7, $0x3  }
0xe: {  	s6 =	sadd.s32 s1, s8;
	s9 =	smax.u32 s9, $0x1;
	s10 =	sadd.s32 s1, s7;
	v0 =	vpop (erf)  }
0xf: {  	s7 =	sadd.s32 $0x7D00, s10;
	s8 =	sadd.s32 $0xFA00, s10;
	s10 =	simm.s32 $0x1F40;
	v1 =	vpop (erf)  }
.LBB2_13:
0x10: {  	s19 =	sadd.s32 $0x1, s19  }
0x11: {  	_ =	swait.ge [sflag:s17], $0x5DC0;
	p0 =	sne.s32 s19, s9  }
.Ltmp1:
0x12: {  	[sflag:s17] =	ssyncset.done $0x0;
	(pc) =	sbr.rel @!p0 .LBB2_14-.Ltmp1, $4  }
0x13: {  	[sflag:s17] =	ssyncadd.s32 $0xFFFFA240  }
0x14: {  	_ =	swait.ge [sflag:s18], $0x5DC0  }
0x15: {  	[sflag:s18] =	ssyncset.done $0x0  }
0x16: {  	[sflag:s18] =	ssyncadd.s32 $0xFFFFA240  }
.LBB2_1:
.Ltmp2:
0x17: {  	(pc) =	sbr.rel .LBB2_2-.Ltmp2, $4  }
0x18: {  	_ = 	snop  }
0x19: {  	[tilespmem:s3], [sflag:$0x1] =	stream.strided.gather [hbm4b:s6+s10], $0x5DC0, s11, s10, $0x38;
	[tilespmem:$0x17700] =	vst v63  }
0x1a: {  	p1 =	por $0x1, $0x1;
	s20 =	simm.s32 $0x0  }
0x1b: {  	[tilespmem:s12], [sflag:$0x2] =	stream.strided.gather [hbm4b:s7+s10], $0x5DC0, s11, s10, $0x38;
	[tilespmem:$0x17700] =	vst v63  }
.LBB2_12:
.Ltmp3:
0x1c: {  	(pc) =	sbr.rel @!p0 .LBB2_13-.Ltmp3, $2  }
0x1d: {  	_ =	sdelay $0x2  }
0x1e: {  	s20 =	simm.s32 $0x40;
	p1 =	por $0x0, $0x0  }
.LBB2_2:
0x1f: {  	_ =	swait.ge [sflag:s13], $0x5DC0  }
0x20: {  	[sflag:s13] =	ssyncset.done $0x0  }
0x21: {  	s21 =	simm.s32 @!p1 $0x3;
	[sflag:s13] =	ssyncadd.s32 $0xFFFFA240  }
0x22: {  	_ =	swait.ge @!p1 [sflag:s21], $0x5DC0  }
0x23: {  	[sflag:s21] =	ssyncset.done @!p1 $0x0  }
0x24: {  	s31 =	simm.s32 $0x1FC0;
	[sflag:s21] =	ssyncadd.s32 @!p1 $0xFFFFA240  }
0x25: {  	v2 =	vld [tilespmem:s31+$0xFFFFE130]  }
0x26: {  	v3 =	vld [tilespmem:s31+$0x70]  }
0x27: {  	v4 =	vld [tilespmem:s31+$0x1FB0]  }
0x28: {  	v5 =	vld [tilespmem:s31+$0xFFFFFF80]  }
0x29: {  	v6 =	vld [tilespmem:s31+$0xFFFFFF90]  }
0x2a: {  	v7 =	vld [tilespmem:s31+$0xFFFFFFA0]  }
0x2b: {  	v8 =	vld [tilespmem:s31+$0xFFFFFFB0]  }
0x2c: {  	v9 =	vld [tilespmem:s31+$0xFFFFFFC0]  }
0x2d: {  	v10 =	vld [tilespmem:s31+$0xFFFFFFD0]  }
0x2e: {  	v11 =	vld [tilespmem:s31+$0xFFFFFFE0]  }
0x2f: {  	v12 =	vld [tilespmem:s31+$0xFFFFFFF0]  }
0x30: {  	v13 =	vld [tilespmem:s31+$0x0];
	v3 =	vadd.f32 $4.000000000e+01, v3  }
0x31: {  	v14 =	vld [tilespmem:s31+$0x10];
	v4 =	vadd.f32 $3.000000000e+00, v4;
	v5 =	vadd.f32 $4.000000000e+01, v5  }
0x32: {  	v15 =	vld [tilespmem:s31+$0x20];
	v6 =	vadd.f32 $4.000000000e+01, v6;
	v7 =	vadd.f32 $4.000000000e+01, v7  }
0x33: {  	v16 =	vld [tilespmem:s31+$0x30];
	v8 =	vadd.f32 $4.000000000e+01, v8;
	v9 =	vadd.f32 $4.000000000e+01, v9  }
0x34: {  	v17 =	vld [tilespmem:s31+$0x40];
	v2 =	vmul.f32 v2, v0;
	v10 =	vadd.f32 $4.000000000e+01, v10;
	v11 =	vadd.f32 $4.000000000e+01, v11  }
0x35: {  	v18 =	vld [tilespmem:s31+$0x50];
	v12 =	vadd.f32 $4.000000000e+01, v12;
	v13 =	vadd.f32 $4.000000000e+01, v13;
	v3 =	vmul.f32 v3, v0  }
0x36: {  	v19 =	vld [tilespmem:s31+$0x60];
	v14 =	vadd.f32 $4.000000000e+01, v14;
	v2 =	vtrunc.f32 v2;
	v4 =	vmul.f32 v4, v1  }
0x37: {  	v20 =	vld [tilespmem:s31+$0x1EC0];
	v15 =	vadd.f32 $4.000000000e+01, v15;
	v5 =	vmul.f32 v5, v0;
	v6 =	vmul.f32 v6, v0  }
0x38: {  	v21 =	vld [tilespmem:s31+$0x1ED0];
	v16 =	vadd.f32 $4.000000000e+01, v16;
	v7 =	vmul.f32 v7, v0;
	v8 =	vmul.f32 v8, v0  }
0x39: {  	v17 =	vadd.f32 $4.000000000e+01, v17;
	v9 =	vmul.f32 v9, v0;
	v10 =	vmul.f32 v10, v0  }
0x3a: {  	v18 =	vadd.f32 $4.000000000e+01, v18;
	v11 =	vmul.f32 v11, v0;
	v12 =	vmul.f32 v12, v0  }
0x3b: {  	v19 =	vadd.f32 $4.000000000e+01, v19;
	v13 =	vmul.f32 v13, v0;
	v14 =	vmul.f32 v14, v0  }
0x3c: {  	v20 =	vadd.f32 $3.000000000e+00, v20;
	v15 =	vmul.f32 v15, v0;
	v16 =	vmul.f32 v16, v0  }
0x3d: {  	v22 =	vld [tilespmem:s31+$0x1EE0];
	v21 =	vadd.f32 $3.000000000e+00, v21;
	v17 =	vmul.f32 v17, v0;
	v18 =	vmul.f32 v18, v0  }
0x3e: {  	v23 =	vld [tilespmem:s31+$0x1EF0];
	v19 =	vmul.f32 v19, v0;
	v29 =	vmul.f32 v20, v1  }
0x3f: {  	v30 =	vmul.f32 v21, v1;
	v2 =	vcvt.f32.s32 v2  }
0x40: {  	v3 =	vtrunc.f32 v3;
	v4 =	vtrunc.f32 v4  }
0x41: {  	v5 =	vtrunc.f32 v5;
	v6 =	vtrunc.f32 v6  }
0x42: {  	v24 =	vld [tilespmem:s31+$0x1F00];
	v20 =	vadd.f32 $3.000000000e+00, v22;
	v7 =	vtrunc.f32 v7;
	v8 =	vtrunc.f32 v8  }
0x43: {  	v25 =	vld [tilespmem:s31+$0x1F10];
	v21 =	vadd.f32 $3.000000000e+00, v23;
	v9 =	vtrunc.f32 v9;
	v10 =	vtrunc.f32 v10  }
0x44: {  	v31 =	vmul.f32 v20, v1;
	v11 =	vtrunc.f32 v11  }
0x45: {  	v26 =	vld [tilespmem:s31+$0x1F20];
	v32 =	vmul.f32 v21, v1;
	v12 =	vtrunc.f32 v12  }
0x46: {  	v22 =	vld [tilespmem:s31+$0x1F30];
	v13 =	vtrunc.f32 v13;
	v14 =	vtrunc.f32 v14  }
0x47: {  	v23 =	vld [tilespmem:s31+$0x1F40];
	v20 =	vadd.f32 $3.000000000e+00, v24;
	v15 =	vtrunc.f32 v15;
	v43 =	vtrunc.f32 v19  }
0x48: {  	v24 =	vld [tilespmem:s31+$0x1F50];
	v21 =	vadd.f32 $3.000000000e+00, v25;
	v3 =	vcvt.f32.s32 v3;
	v4 =	vcvt.f32.s32 v4  }
0x49: {  	v25 =	vld [tilespmem:s31+$0x1F60];
	v27 =	vcvt.f32.s32 v5;
	v28 =	vcvt.f32.s32 v6;
	vm0 =	vlt.u32 v2, $0x580  }
0x4a: {  	v5 =	vld [tilespmem:s31+$0xFFFFE080];
	v15 =	vcvt.f32.s32 v15;
	v33 =	vmul.f32 v20, v1;
	v20 =	vadd.f32 $3.000000000e+00, v26  }
0x4b: {  	v6 =	vld [tilespmem:s31+$0xFFFFE090];
	v34 =	vmul.f32 v21, v1;
	v21 =	vadd.f32 $3.000000000e+00, v22;
	vm1 =	vlt.u32 v3, $0x640  }
0x4c: {  	v26 =	vld [tilespmem:s31+$0x1F70];
	v35 =	vmul.f32 v20, v1;
	v20 =	vadd.f32 $3.000000000e+00, v23;
	vm0 =	vmand vm0, vm1  }
0x4d: {  	v22 =	vld [tilespmem:s31+$0x1F80];
	vm1 =	vlt.u32 v4, $0x28;
	v36 =	vmul.f32 v21, v1;
	v21 =	vadd.f32 $3.000000000e+00, v24  }
0x4e: {  	v37 =	vld [tilespmem:s31+$0xFFFFE050];
	v24 =	vtrunc.f32 v16;
	vm2 =	vmand vm0, vm1;
	v38 =	vmul.f32 v20, v1  }
0x4f: {  	v23 =	vld [tilespmem:s31+$0x1F90];
	v20 =	vadd.f32 $3.000000000e+00, v25;
	v25 =	vtrunc.f32 v17;
	v5 =	vmul.f32 v5, v0  }
0x50: {  	v16 =	vld [tilespmem:s31+$0x1FA0];
	v6 =	vmul.f32 v6, v0;
	v60 =	vnsel vm2, $0xFFFFFFFF, v2;
	v2 =	vcvt.f32.s32 v43  }
0x51: {  	v17 =	vld [tilespmem:s31+$0xFFFFE060];
	v39 =	vmul.f32 v21, v1;
	v21 =	vadd.f32 $3.000000000e+00, v26;
	v26 =	vtrunc.f32 v18  }
0x52: {  	v42 =	vmul.f32 v20, v1;
	v20 =	vadd.f32 $3.000000000e+00, v22;
	v50 =	vtrunc.f32 v5  }
0x53: {  	v41 =	vnsel vm2, $0xFFFFFFFF, v3;
	v18 =	vld [tilespmem:s31+$0xFFFFE070];
	v6 =	vtrunc.f32 v6;
	v3 =	vcvt.f32.s32 v26  }
0x54: {  	v22 =	vld [tilespmem:s31+$0xFFFFE040];
	v44 =	vmul.f32 v21, v1;
	v19 =	vadd.f32 $3.000000000e+00, v23;
	v23 =	vmul.f32 v20, v1  }
0x55: {  	v16 =	vadd.f32 $3.000000000e+00, v16;
	v20 =	vmul.f32 v37, v0;
	v37 =	vcvt.f32.s32 v7  }
0x56: {  	v21 =	vld [tilespmem:s31+$0xFFFFE0A0];
	v45 =	vmul.f32 v19, v1;
	v17 =	vmul.f32 v17, v0  }
0x57: {  	vm1 =	vlt.u32 v27, $0x640;
	v46 =	vmul.f32 v16, v1;
	v47 =	vtrunc.f32 v20  }
0x58: {  	vm0 =	vlt.u32 v28, $0x640;
	v16 =	vmul.f32 v18, v0;
	v62 =	vtrunc.f32 v23  }
0x59: {  	v40 =	vnsel vm2, $0xFFFFFFFF, v4;
	v19 =	vld [tilespmem:s31+$0xFFFFE0B0];
	v48 =	vtrunc.f32 v17;
	v4 =	vmul.f32 v22, v0  }
0x5a: {  	vm8 =	vlt.u32 v3, $0x640;
	v18 =	vld [tilespmem:s31+$0xFFFFE0C0];
	v22 =	vcvt.f32.s32 v8;
	v47 =	vcvt.f32.s32 v47  }
0x5b: {  	vm2 =	vlt.u32 v37, $0x640;
	v17 =	vld [tilespmem:s31+$0xFFFFE0D0];
	v49 =	vtrunc.f32 v16;
	v5 =	vmul.f32 v21, v0  }
0x5c: {  	v8 =	vimm.s32 $0x0;
	v16 =	vld [tilespmem:s31+$0xFFFFE0E0];
	v48 =	vcvt.f32.s32 v48;
	v7 =	vtrunc.f32 v4  }
0x5d: {  	v20 =	vld [tilespmem:s31+$0xFFFFE0F0];
	v8 =	vsel vm8, $0xFFFFFFFF, v8;
	v4 =	vcvt.f32.s32 v25;
	v49 =	vcvt.f32.s32 v49  }
0x5e: {  	vm8 =	vlt.u32 v2, $0x640;
	v19 =	vmul.f32 v19, v0;
	v51 =	vtrunc.f32 v5  }
0x5f: {  	vm3 =	vlt.u32 v22, $0x640;
	v63 =	vcvt.f32.s32 v7;
	v5 =	vmul.f32 v18, v0  }
0x60: {  	v7 =	vimm.s32 $0x0;
	v52 =	vtrunc.f32 v19;
	v17 =	vmul.f32 v17, v0  }
0x61: {  	v21 =	vld [tilespmem:s31+$0xFFFFE100];
	v7 =	vsel vm8, $0xFFFFFFFF, v7;
	v53 =	vtrunc.f32 v5;
	v5 =	vmul.f32 v16, v0  }
0x62: {  	vm8 =	vlt.u32 v63, $0x580;
	v16 =	vmul.f32 v20, v0;
	v20 =	vcvt.f32.s32 v10  }
0x63: {  	v18 =	vld [tilespmem:s31+$0xFFFFE110];
	v10 =	vtrunc.f32 v29;
	vm8 =	vmand vm8, vm1;
	v29 =	vcvt.f32.s32 v51  }
0x64: {  	vm1 =	vlt.u32 v47, $0x580;
	v26 =	vcvt.f32.s32 v52;
	v54 =	vtrunc.f32 v17  }
0x65: {  	v19 =	vld [tilespmem:s31+$0xFFFFE120];
	v17 =	vcvt.f32.s32 v13;
	vm9 =	vmand vm1, vm0;
	v25 =	vcvt.f32.s32 v53  }
0x66: {  	vm0 =	vlt.u32 v48, $0x580;
	v55 =	vtrunc.f32 v5;
	v5 =	vmul.f32 v21, v0  }
0x67: {  	v56 =	vtrunc.f32 v16;
	v21 =	vcvt.f32.s32 v9;
	vm5 =	vlt.u32 v20, $0x640  }
0x68: {  	vm11 =	vmand vm0, vm2;
	v16 =	vmul.f32 v18, v0;
	v18 =	vcvt.f32.s32 v12  }
0x69: {  	vm0 =	vlt.u32 v49, $0x580;
	v12 =	vtrunc.f32 v31;
	v31 =	vcvt.f32.s32 v50  }
0x6a: {  	vm15 =	vlt.u32 v17, $0x640;
	v57 =	vtrunc.f32 v5;
	v5 =	vmul.f32 v19, v0  }
0x6b: {  	vm3 =	vmand vm0, vm3;
	v19 =	vcvt.f32.s32 v11;
	v11 =	vtrunc.f32 v30  }
0x6c: {  	vm4 =	vlt.u32 v21, $0x640;
	v30 =	vcvt.f32.s32 v6;
	v58 =	vtrunc.f32 v16  }
0x6d: {  	v16 =	vcvt.f32.s32 v14;
	vm7 =	vlt.u32 v18, $0x640;
	vm0 =	vlt.u32 v31, $0x580  }
0x6e: {  	v59 =	vtrunc.f32 v5;
	vm4 =	vmand vm0, vm4;
	vm0 =	vlt.u32 v30, $0x580  }
0x6f: {  	vm6 =	vlt.u32 v19, $0x640;
	vm5 =	vmand vm0, vm5;
	vm0 =	vlt.u32 v29, $0x580  }
0x70: {  	v5 =	vcvt.f32.s32 v24;
	vm6 =	vmand vm0, vm6;
	vm0 =	vlt.u32 v26, $0x580  }
0x71: {  	v24 =	vcvt.f32.s32 v54;
	vm7 =	vmand vm0, vm7;
	vm0 =	vlt.u32 v25, $0x580  }
0x72: {  	v23 =	vcvt.f32.s32 v55;
	v6 =	vimm.s32 $0x0;
	vm0 =	vmand vm0, vm15  }
0x73: {  	vm13 =	vlt.u32 v16, $0x640;
	v6 =	vsel vm0, $0xFFFFFFFF, v6;
	vm0 =	vlt.u32 v24, $0x580  }
0x74: {  	vm10 =	vlt.u32 v15, $0x640;
	vm13 =	vmand vm0, vm13;
	vm0 =	vlt.u32 v23, $0x580  }
0x75: {  	v50 =	vcvt.f32.s32 v10;
	v10 =	vimm.s32 $0x0;
	vm0 =	vmand vm0, vm10  }
0x76: {  	v43 =	vtrunc.f32 v38;
	[tilespmem:$0x1FF90] =	vst v8;
	v10 =	vsel vm0, $0xFFFFFFFF, v10  }
0x77: {  	v61 =	vtrunc.f32 v39;
	v42 =	vtrunc.f32 v42;
	[tilespmem:$0x1FFC0] =	vst v10;
	v10 =	vld [tilespmem:$0x1FF90]  }
0x78: {  	v44 =	vtrunc.f32 v44;
	v9 =	vcvt.f32.s32 v56  }
0x79: {  	v45 =	vtrunc.f32 v45;
	v8 =	vcvt.f32.s32 v57  }
0x7a: {  	[tilespmem:$0x1FFA0] =	vst v7;
	v7 =	vcvt.f32.s32 v58;
	vm14 =	vlt.u32 v5, $0x640;
	vm0 =	vlt.u32 v9, $0x580  }
0x7b: {  	vm12 =	vlt.u32 v4, $0x640;
	vm2 =	vmand vm0, vm14;
	vm0 =	vlt.u32 v8, $0x580  }
0x7c: {  	vm15 =	vmand vm0, vm12;
	vm0 =	vlt.u32 v7, $0x580;
	vm1 =	vnez.u8 v10  }
0x7d: {  	v46 =	vtrunc.f32 v46;
	v10 =	vimm.s32 $0x0;
	vm0 =	vmand vm0, vm1  }
0x7e: {  	v13 =	vtrunc.f32 v32;
	v32 =	vtrunc.f32 v34;
	v10 =	vsel vm0, $0xFFFFFFFF, v10  }
0x7f: {  	v34 =	vtrunc.f32 v36;
	v39 =	vcvt.f32.s32 v13;
	[tilespmem:$0x1FFD0] =	vst v10;
	v10 =	vld [tilespmem:$0x1FFA0]  }
0x80: {  	v36 =	vcvt.f32.s32 v32;
	v34 =	vcvt.f32.s32 v34  }
0x81: {  	v32 =	vcvt.f32.s32 v61;
	v13 =	vcvt.f32.s32 v44  }
0x82: {  	v14 =	vtrunc.f32 v33;
	[tilespmem:$0x1FFB0] =	vst v6;
	v6 =	vcvt.f32.s32 v59  }
0x83: {  	v33 =	vtrunc.f32 v35;
	v56 =	vcvt.f32.s32 v11  }
0x84: {  	v57 =	vcvt.f32.s32 v12;
	vm0 =	vlt.u32 v6, $0x580;
	vm1 =	vnez.u8 v10  }
0x85: {  	vm10 =	vlt.u32 v50, $0x28;
	v59 =	vld [tilespmem:$0x1FFC0];
	v10 =	vimm.s32 $0x0;
	vm0 =	vmand vm0, vm1  }
0x86: {  	v10 =	vsel vm0, $0xFFFFFFFF, v10;
	vm0 =	vmand vm8, vm10;
	vm8 =	vlt.u32 v56, $0x28  }
0x87: {  	v12 =	vcvt.f32.s32 v62;
	vm14 =	vmand vm9, vm8;
	vm8 =	vlt.u32 v57, $0x28  }
0x88: {  	v11 =	vcvt.f32.s32 v45;
	[tilespmem:$0x1FFE0] =	vst v10;
	v10 =	vimm.s32 $0x0;
	vm1 =	vmand vm11, vm8  }
0x89: {  	v38 =	vcvt.f32.s32 v14;
	v35 =	vcvt.f32.s32 v33;
	v10 =	vsel vm1, $0xFFFFFFFF, v10  }
0x8a: {  	s22 =	simm.s32 $0xDB40;
	v33 =	vcvt.f32.s32 v43;
	v14 =	vcvt.f32.s32 v42;
	vm9 =	vnez.u8 v59;
	[tilespmem:$0x1FFF0] =	vst v10  }
0x8b: {  	v58 =	vld [tilespmem:$0x1FFB0];
	v62 =	vnsel vm0, $0xFFFFFFFF, v63;
	v27 =	vnsel vm0, $0xFFFFFFFF, v27;
	v63 =	vnsel vm0, $0xFFFFFFFF, v50;
	[tilespmem:s22+$0xFFFFE130] =	vst v40  }
0x8c: {  	vm8 =	vlt.u32 v39, $0x28;
	v44 =	vnsel vm14, $0xFFFFFFFF, v47;
	v43 =	vnsel vm14, $0xFFFFFFFF, v28;
	[tilespmem:s22+$0x1FB0] =	vst v60  }
0x8d: {  	v42 =	vnsel vm14, $0xFFFFFFFF, v56;
	vm11 =	vmand vm3, vm8;
	vm3 =	vlt.u32 v38, $0x28;
	v40 =	vld [tilespmem:$0x1FFD0]  }
0x8e: {  	vm1 =	vlt.u32 v35, $0x28;
	vm10 =	vmand vm4, vm3;
	vm3 =	vlt.u32 v36, $0x28;
	v61 =	vld [tilespmem:$0x1FFE0];
	[tilespmem:s22+$0x70] =	vst v41  }
0x8f: {  	vm4 =	vmand vm6, vm1;
	vm1 =	vlt.u32 v34, $0x28;
	vm3 =	vmand vm5, vm3;
	[tilespmem:s22+$0x1EC0] =	vst v62  }
0x90: {  	vm7 =	vmand vm7, vm1;
	vm1 =	vlt.u32 v33, $0x28;
	vm5 =	vnez.u8 v58;
	[tilespmem:s22+$0xFFFFFF80] =	vst v27  }
0x91: {  	vm8 =	vlt.u32 v13, $0x28;
	vm6 =	vmand vm5, vm1;
	vm1 =	vlt.u32 v32, $0x28;
	v27 =	vld [tilespmem:$0x1FFF0]  }
0x92: {  	v10 =	vcvt.f32.s32 v46;
	vm5 =	vmand vm13, vm1;
	vm1 =	vlt.u32 v14, $0x28  }
0x93: {  	vm13 =	vmand vm2, vm8;
	vm2 =	vlt.u32 v12, $0x28;
	vm12 =	vmand vm9, vm1  }
0x94: {  	vm9 =	vmand vm15, vm2;
	vm2 =	vlt.u32 v11, $0x28;
	vm8 =	vnez.u8 v40  }
0x95: {  	vm1 =	vlt.u32 v10, $0x28;
	vm15 =	vmand vm8, vm2;
	vm2 =	vnez.u8 v61  }
0x96: {  	p0 =	por p1, p1;
	s20 =	sor.u32 s4, s20;
	vm0 =	vnez.u8 v27;
	v27 =	vnsel vm11, $0xFFFFFFFF, v49;
	vm8 =	vmand vm2, vm1  }
0x97: {  	s23 =	simm.s32 $0x0;
	s24 =	simm.s32 $0x20C0;
	s21 =	simm.s32 $0xDB40;
	[tilespmem:s22+$0xFFFFE040] =	vst v63;
	v41 =	vnsel vm0, $0xFFFFFFFF, v48;
	v37 =	vnsel vm0, $0xFFFFFFFF, v37;
	v28 =	vnsel vm0, $0xFFFFFFFF, v57  }
.LBB2_3:
0x98: {  	v40 =	vld [tilespmem:s24+$0xFFFFE130]  }
0x99: {  	v55 =	vld [tilespmem:s24+$0x70]  }
0x9a: {  	v56 =	vld [tilespmem:s24+$0x1FB0]  }
0x9b: {  	v22 =	vnsel vm11, $0xFFFFFFFF, v22;
	v57 =	vld [tilespmem:s24+$0xFFFFFF80]  }
0x9c: {  	[tilespmem:s22+$0x1ED0] =	vst v44;
	v39 =	vnsel vm11, $0xFFFFFFFF, v39;
	v31 =	vnsel vm10, $0xFFFFFFFF, v31;
	v21 =	vnsel vm10, $0xFFFFFFFF, v21;
	v59 =	vld [tilespmem:s24+$0xFFFFFFB0]  }
0x9d: {  	[tilespmem:s22+$0xFFFFFF90] =	vst v43;
	v38 =	vnsel vm10, $0xFFFFFFFF, v38;
	v30 =	vnsel vm3, $0xFFFFFFFF, v30;
	v20 =	vnsel vm3, $0xFFFFFFFF, v20;
	v45 =	vld [tilespmem:s24+$0xFFFFFFC0]  }
0x9e: {  	[tilespmem:s22+$0xFFFFE050] =	vst v42;
	v36 =	vnsel vm3, $0xFFFFFFFF, v36;
	v29 =	vnsel vm4, $0xFFFFFFFF, v29;
	v19 =	vnsel vm4, $0xFFFFFFFF, v19;
	v61 =	vld [tilespmem:s24+$0xFFFFFFD0]  }
0x9f: {  	[tilespmem:s22+$0x1EE0] =	vst v41;
	v35 =	vnsel vm4, $0xFFFFFFFF, v35;
	v26 =	vnsel vm7, $0xFFFFFFFF, v26;
	v18 =	vnsel vm7, $0xFFFFFFFF, v18;
	v46 =	vld [tilespmem:s24+$0xFFFFFFE0]  }
0xa0: {  	[tilespmem:s22+$0xFFFFFFA0] =	vst v37;
	v34 =	vnsel vm7, $0xFFFFFFFF, v34;
	v25 =	vnsel vm6, $0xFFFFFFFF, v25;
	v17 =	vnsel vm6, $0xFFFFFFFF, v17;
	v50 =	vld [tilespmem:s24+$0x10]  }
0xa1: {  	v24 =	vnsel vm5, $0xFFFFFFFF, v24;
	[tilespmem:s22+$0x1EF0] =	vst v27;
	v27 =	vnsel vm5, $0xFFFFFFFF, v16;
	v32 =	vnsel vm5, $0xFFFFFFFF, v32  }
0xa2: {  	v52 =	vld [tilespmem:s24+$0x30];
	v5 =	vnsel vm13, $0xFFFFFFFF, v5;
	[tilespmem:s22+$0xFFFFFFB0] =	vst v22;
	v44 =	vadd.f32 $4.000000000e+01, v55;
	v60 =	vadd.f32 $3.000000000e+00, v56  }
0xa3: {  	v58 =	vld [tilespmem:s24+$0xFFFFFF90];
	v22 =	vnsel vm12, $0xFFFFFFFF, v23;
	[tilespmem:s22+$0xFFFFFFC0] =	vst v21;
	v23 =	vadd.f32 $4.000000000e+01, v57;
	v21 =	vadd.f32 $4.000000000e+01, v59  }
0xa4: {  	v37 =	vld [tilespmem:s24+$0xFFFFFFA0];
	[tilespmem:s22+$0x1F10] =	vst v30;
	v16 =	vmul.f32 v40, v0;
	v49 =	vadd.f32 $4.000000000e+01, v45;
	v30 =	vadd.f32 $4.000000000e+01, v61  }
0xa5: {  	v47 =	vld [tilespmem:s24+$0xFFFFFFF0];
	[tilespmem:s22+$0xFFFFFFD0] =	vst v20;
	v20 =	vadd.f32 $4.000000000e+01, v46;
	v56 =	vadd.f32 $4.000000000e+01, v50;
	v62 =	vmul.f32 v44, v0  }
0xa6: {  	v51 =	vld [tilespmem:s24+$0x20];
	v44 =	vnsel vm12, $0xFFFFFFFF, v15;
	v15 =	vtrunc.f32 v16;
	v40 =	vmul.f32 v60, v1  }
0xa7: {  	[tilespmem:s21+$0xFFFFFFE0] =	vst v19;
	v41 =	vadd.f32 $4.000000000e+01, v52;
	v23 =	vmul.f32 v23, v0;
	v19 =	vmul.f32 v21, v0  }
0xa8: {  	[tilespmem:s22+$0x1F00] =	vst v31;
	v63 =	vadd.f32 $4.000000000e+01, v58;
	v21 =	vmul.f32 v49, v0;
	v30 =	vmul.f32 v30, v0  }
0xa9: {  	[tilespmem:s22+$0xFFFFE080] =	vst v38;
	v31 =	vadd.f32 $4.000000000e+01, v37;
	v59 =	vmul.f32 v20, v0;
	v38 =	vmul.f32 v56, v0  }
0xaa: {  	v37 =	vadd.f32 $4.000000000e+01, v47;
	v46 =	vmul.f32 v41, v0;
	v16 =	vcvt.f32.s32 v15  }
0xab: {  	v48 =	vld [tilespmem:s24+$0x0];
	[tilespmem:s22+$0x1F20] =	vst v29;
	v20 =	vadd.f32 $4.000000000e+01, v51;
	v53 =	vmul.f32 v63, v0;
	v29 =	vmul.f32 v31, v0  }
0xac: {  	v54 =	vld [tilespmem:s24+$0x40];
	v4 =	vnsel vm9, $0xFFFFFFFF, v4;
	v37 =	vmul.f32 v37, v0;
	v15 =	vtrunc.f32 v62  }
0xad: {  	v3 =	vnsel vm15, $0xFFFFFFFF, v3;
	v40 =	vtrunc.f32 v40;
	v42 =	vmul.f32 v20, v0  }
0xae: {  	v2 =	vnsel vm8, $0xFFFFFFFF, v2;
	[tilespmem:s21+$0x0] =	vst v17;
	v55 =	vld [tilespmem:s24+$0x50];
	v47 =	vtrunc.f32 v23;
	v17 =	vtrunc.f32 v19  }
0xaf: {  	[tilespmem:s22+$0xFFFFE060] =	vst v28;
	v28 =	vnsel vm6, $0xFFFFFFFF, v33;
	v57 =	vld [tilespmem:s24+$0x60];
	v19 =	vtrunc.f32 v21;
	v33 =	vtrunc.f32 v59  }
0xb0: {  	[tilespmem:s22+$0xFFFFE070] =	vst v39;
	v58 =	vld [tilespmem:s24+$0x1EC0];
	v31 =	vadd.f32 $4.000000000e+01, v48;
	v41 =	vtrunc.f32 v38;
	v46 =	vtrunc.f32 v46  }
0xb1: {  	[tilespmem:s22+$0xFFFFE090] =	vst v36;
	v60 =	vld [tilespmem:s24+$0x1ED0];
	v20 =	vadd.f32 $4.000000000e+01, v54;
	v15 =	vcvt.f32.s32 v15;
	v40 =	vcvt.f32.s32 v40  }
0xb2: {  	[tilespmem:s21+$0x1F30] =	vst v26;
	v26 =	vld [tilespmem:s24+$0x1EE0];
	vm5 =	vlt.u32 v16, $0x580;
	v31 =	vmul.f32 v31, v0;
	v50 =	vtrunc.f32 v53  }
0xb3: {  	[tilespmem:s21+$0xFFFFFFF0] =	vst v18;
	v61 =	vld [tilespmem:s24+$0x1EF0];
	v23 =	vadd.f32 $4.000000000e+01, v55;
	v18 =	vtrunc.f32 v29;
	v36 =	vtrunc.f32 v37  }
0xb4: {  	[tilespmem:s21+$0xFFFFE0B0] =	vst v34;
	v52 =	vld [tilespmem:s24+$0xFFFFE050];
	v48 =	vmul.f32 v20, v0;
	v20 =	vadd.f32 $4.000000000e+01, v57;
	v43 =	vtrunc.f32 v42  }
0xb5: {  	[tilespmem:s21+$0x1F40] =	vst v25;
	v62 =	vld [tilespmem:s24+$0x1F00];
	v25 =	vadd.f32 $3.000000000e+00, v58;
	v37 =	vcvt.f32.s32 v18;
	v18 =	vcvt.f32.s32 v36  }
0xb6: {  	v21 =	vld [tilespmem:s24+$0x1F30];
	vm6 =	vlt.u32 v15, $0x640;
	v63 =	vmul.f32 v23, v0;
	v56 =	vadd.f32 $3.000000000e+00, v60  }
0xb7: {  	[tilespmem:s21+$0xFFFFE0A0] =	vst v35;
	v29 =	vld [tilespmem:s24+$0x1F10];
	v39 =	vtrunc.f32 v31;
	vm5 =	vmand vm5, vm6;
	vm6 =	vlt.u32 v40, $0x28  }
0xb8: {  	[tilespmem:s21+$0x1F50] =	vst v24;
	v57 =	vld [tilespmem:s24+$0x1F20];
	v51 =	vmul.f32 v20, v0;
	v23 =	vmul.f32 v25, v1;
	v25 =	vadd.f32 $3.000000000e+00, v26  }
0xb9: {  	[tilespmem:s21+$0xFFFFE0C0] =	vst v28;
	v26 =	vadd.f32 $3.000000000e+00, v61;
	v20 =	vtrunc.f32 v30;
	v48 =	vtrunc.f32 v48  }
0xba: {  	[tilespmem:s21+$0x10] =	vst v27;
	v28 =	vld [tilespmem:s24+$0x1F40];
	vm5 =	vmand vm5, vm6;
	v24 =	vmul.f32 v56, v1;
	v49 =	vtrunc.f32 v63  }
0xbb: {  	v58 =	vld [tilespmem:s24+$0x1F50];
	v27 =	vadd.f32 $3.000000000e+00, v62;
	v56 =	vmul.f32 v52, v0;
	v20 =	vcvt.f32.s32 v20  }
0xbc: {  	v59 =	vld [tilespmem:s24+$0x1F60];
	v21 =	vadd.f32 $3.000000000e+00, v21;
	v25 =	vmul.f32 v25, v1;
	v26 =	vmul.f32 v26, v1  }
0xbd: {  	[tilespmem:s21+$0x1F60] =	vst v22;
	v30 =	vadd.f32 $3.000000000e+00, v29;
	v29 =	vmul.f32 v27, v1;
	v22 =	vadd.f32 $3.000000000e+00, v57;
	v27 =	vld [tilespmem:s24+$0x1F70]  }
0xbe: {  	[tilespmem:s21+$0xFFFFE0D0] =	vst v32;
	v60 =	vld [tilespmem:s24+$0x1F80];
	v40 =	vnsel vm5, $0xFFFFFFFF, v40;
	v51 =	vtrunc.f32 v51;
	v32 =	vmul.f32 v21, v1  }
0xbf: {  	v45 =	vtrunc.f32 v56;
	v31 =	vmul.f32 v22, v1;
	v22 =	vadd.f32 $3.000000000e+00, v28;
	v28 =	vld [tilespmem:s24+$0x1F90]  }
0xc0: {  	v61 =	vld [tilespmem:s24+$0x1FA0];
	v21 =	vadd.f32 $3.000000000e+00, v58;
	v36 =	vtrunc.f32 v24;
	v30 =	vmul.f32 v30, v1  }
0xc1: {  	v45 =	vcvt.f32.s32 v45;
	v34 =	vmul.f32 v22, v1;
	v22 =	vadd.f32 $3.000000000e+00, v59  }
0xc2: {  	s22 =	sadd.s32 $0x100, s22;
	v53 =	vld [tilespmem:s24+$0xFFFFE070];
	v35 =	vmul.f32 v21, v1;
	v32 =	vtrunc.f32 v32;
	v21 =	vadd.f32 $3.000000000e+00, v27  }
0xc3: {  	v62 =	vld [tilespmem:s24+$0xFFFFE060];
	[tilespmem:s22+$0xFFFFE130] =	vst v40;
	v27 =	vcvt.f32.s32 v47;
	v38 =	vmul.f32 v22, v1;
	v22 =	vadd.f32 $3.000000000e+00, v60  }
0xc4: {  	v60 =	vld [tilespmem:s24+$0xFFFFE100];
	[tilespmem:s21+$0x40] =	vst v4;
	v4 =	vnsel vm9, $0xFFFFFFFF, v12;
	v40 =	vmul.f32 v21, v1;
	v21 =	vadd.f32 $3.000000000e+00, v28  }
0xc5: {  	[tilespmem:s21+$0x20] =	vst v44;
	v28 =	vcvt.f32.s32 v50;
	v42 =	vmul.f32 v22, v1;
	v22 =	vadd.f32 $3.000000000e+00, v61  }
0xc6: {  	v63 =	vld [tilespmem:s24+$0xFFFFE090];
	[tilespmem:s21+$0xFFFFE100] =	vst v4;
	v4 =	vnsel vm15, $0xFFFFFFFF, v7;
	v61 =	vnsel vm13, $0xFFFFFFFF, v9;
	v44 =	vmul.f32 v21, v1  }
0xc7: {  	v54 =	vld [tilespmem:s24+$0xFFFFE080];
	vm1 =	vlt.u32 v28, $0x640;
	v21 =	vimm.s32 $0x0;
	[tilespmem:s21+$0x1F70] =	vst v61;
	v47 =	vmul.f32 v22, v1  }
0xc8: {  	v61 =	vld [tilespmem:s24+$0xFFFFE110];
	[tilespmem:s21+$0x1F90] =	vst v4;
	v21 =	vsel vm1, $0xFFFFFFFF, v21;
	v22 =	vmul.f32 v53, v0;
	v42 =	vtrunc.f32 v42  }
0xc9: {  	v55 =	vnsel vm12, $0xFFFFFFFF, v14;
	v58 =	vld [tilespmem:s24+$0xFFFFE0B0];
	[tilespmem:$0x1FDD0] =	vst v21;
	v21 =	vmul.f32 v62, v0;
	v4 =	vmul.f32 v60, v0  }
0xca: {  	vm10 =	vlt.u32 v45, $0x580;
	v60 =	vtrunc.f32 v35;
	v44 =	vtrunc.f32 v44  }
0xcb: {  	v57 =	vld [tilespmem:s24+$0xFFFFE0A0];
	vm0 =	vlt.u32 v27, $0x640;
	v9 =	vtrunc.f32 v22;
	v22 =	vmul.f32 v63, v0  }
0xcc: {  	v59 =	vld [tilespmem:s24+$0xFFFFE0C0];
	[tilespmem:s21+$0x50] =	vst v3;
	v3 =	vnsel vm15, $0xFFFFFFFF, v11;
	v47 =	vtrunc.f32 v47;
	v14 =	vtrunc.f32 v21  }
0xcd: {  	v12 =	vld [tilespmem:s24+$0xFFFFE040];
	[tilespmem:s21+$0xFFFFE110] =	vst v3;
	v3 =	vnsel vm8, $0xFFFFFFFF, v6;
	v21 =	vmul.f32 v54, v0;
	v6 =	vtrunc.f32 v4  }
0xce: {  	v63 =	vld [tilespmem:s24+$0xFFFFE0F0];
	[tilespmem:s21+$0x30] =	vst v5;
	v5 =	vnsel vm13, $0xFFFFFFFF, v13;
	v13 =	vtrunc.f32 v22;
	v22 =	vmul.f32 v58, v0  }
0xcf: {  	[tilespmem:s21+$0xFFFFE0E0] =	vst v55;
	vm1 =	vlt.u32 v37, $0x640;
	v54 =	vld [tilespmem:s24+$0xFFFFE0D0];
	v58 =	vcvt.f32.s32 v14;
	v55 =	vtrunc.f32 v21  }
0xd0: {  	v53 =	vimm.s32 $0x0;
	v62 =	vld [tilespmem:s24+$0xFFFFE0E0];
	[tilespmem:s21+$0xFFFFE0F0] =	vst v5;
	v21 =	vmul.f32 v57, v0;
	v57 =	vtrunc.f32 v40  }
0xd1: {  	v5 =	vnsel vm9, $0xFFFFFFFF, v8;
	v40 =	vcvt.f32.s32 v9;
	v56 =	vtrunc.f32 v22;
	v22 =	vld [tilespmem:s24+$0xFFFFE120];
	[tilespmem:s21+$0x1FA0] =	vst v3  }
0xd2: {  	v3 =	vmul.f32 v12, v0;
	[tilespmem:s21+$0x60] =	vst v2;
	v2 =	vnsel vm8, $0xFFFFFFFF, v10;
	v8 =	vtrunc.f32 v21  }
0xd3: {  	v21 =	vmul.f32 v59, v0;
	[tilespmem:s21+$0xFFFFE120] =	vst v2;
	v2 =	vnsel vm5, $0xFFFFFFFF, v15;
	v15 =	vcvt.f32.s32 v43  }
0xd4: {  	[tilespmem:s21+$0x1F80] =	vst v5;
	vm9 =	vlt.u32 v58, $0x580;
	v43 =	vtrunc.f32 v29;
	v5 =	vmul.f32 v54, v0  }
0xd5: {  	vm13 =	vlt.u32 v40, $0x580;
	v52 =	vtrunc.f32 v3;
	v29 =	vcvt.f32.s32 v8  }
0xd6: {  	v3 =	vimm.s32 $0x0;
	v54 =	vtrunc.f32 v21;
	v21 =	vmul.f32 v62, v0  }
0xd7: {  	[tilespmem:s22+$0x70] =	vst v2;
	v2 =	vimm.s32 $0x0;
	v4 =	vmul.f32 v22, v0;
	v22 =	vcvt.f32.s32 v17  }
0xd8: {  	v8 =	vcvt.f32.s32 v6;
	v3 =	vsel vm1, $0xFFFFFFFF, v3;
	v62 =	vtrunc.f32 v31  }
0xd9: {  	v50 =	vtrunc.f32 v21;
	v21 =	vcvt.f32.s32 v19;
	vm1 =	vlt.u32 v22, $0x640  }
0xda: {  	v52 =	vcvt.f32.s32 v52;
	v31 =	vcvt.f32.s32 v55;
	v2 =	vsel vm1, $0xFFFFFFFF, v2  }
0xdb: {  	v7 =	vtrunc.f32 v5;
	vm1 =	vlt.u32 v21, $0x640;
	[tilespmem:$0x1FDF0] =	vst v2;
	v2 =	vimm.s32 $0x0  }
0xdc: {  	v5 =	vmul.f32 v63, v0;
	[tilespmem:$0x1FDE0] =	vst v3;
	v3 =	vcvt.f32.s32 v49;
	v2 =	vsel vm1, $0xFFFFFFFF, v2  }
0xdd: {  	v19 =	vcvt.f32.s32 v33;
	vm1 =	vlt.u32 v20, $0x640;
	[tilespmem:$0x1FE00] =	vst v2;
	v2 =	vimm.s32 $0x0  }
0xde: {  	v63 =	vtrunc.f32 v34;
	v17 =	vcvt.f32.s32 v39;
	v2 =	vsel vm1, $0xFFFFFFFF, v2  }
0xdf: {  	v33 =	vtrunc.f32 v23;
	vm1 =	vlt.u32 v19, $0x640;
	[tilespmem:$0x1FE10] =	vst v2;
	v2 =	vimm.s32 $0x0  }
0xe0: {  	v23 =	vimm.s32 $0x0;
	v10 =	vtrunc.f32 v4;
	v2 =	vsel vm1, $0xFFFFFFFF, v2  }
0xe1: {  	v4 =	vnsel vm5, $0xFFFFFFFF, v16;
	vm1 =	vlt.u32 v18, $0x640;
	[tilespmem:$0x1FE20] =	vst v2;
	v2 =	vimm.s32 $0x0  }
0xe2: {  	v16 =	vcvt.f32.s32 v41;
	v2 =	vsel vm1, $0xFFFFFFFF, v2;
	vm1 =	vlt.u32 v17, $0x640  }
0xe3: {  	v11 =	vtrunc.f32 v5;
	v5 =	vmul.f32 v61, v0;
	v23 =	vsel vm1, $0xFFFFFFFF, v23  }
0xe4: {  	vm8 =	vlt.u32 v29, $0x580;
	vm1 =	vlt.u32 v16, $0x640;
	[tilespmem:$0x1FE40] =	vst v23;
	v23 =	vimm.s32 $0x0  }
0xe5: {  	v35 =	vcvt.f32.s32 v62;
	v12 =	vtrunc.f32 v5;
	v23 =	vsel vm1, $0xFFFFFFFF, v23  }
0xe6: {  	v5 =	vcvt.f32.s32 v46;
	vm1 =	vlt.u32 v15, $0x640;
	[tilespmem:$0x1FE50] =	vst v23;
	v23 =	vimm.s32 $0x0  }
0xe7: {  	v34 =	vcvt.f32.s32 v32;
	v32 =	vcvt.f32.s32 v60;
	[tilespmem:s22+$0x1FB0] =	vst v4;
	v23 =	vsel vm1, $0xFFFFFFFF, v23  }
0xe8: {  	v4 =	vcvt.f32.s32 v48;
	vm1 =	vlt.u32 v5, $0x640;
	[tilespmem:$0x1FE60] =	vst v23;
	v23 =	vimm.s32 $0x0  }
0xe9: {  	vm2 =	vlt.u32 v8, $0x580;
	v49 =	vimm.s32 $0x0;
	v23 =	vsel vm1, $0xFFFFFFFF, v23  }
0xea: {  	v60 =	vimm.s32 $0x0;
	vm1 =	vlt.u32 v4, $0x640;
	[tilespmem:$0x1FE70] =	vst v23;
	v23 =	vimm.s32 $0x0  }
0xeb: {  	v39 =	vtrunc.f32 v25;
	v25 =	vcvt.f32.s32 v54;
	[tilespmem:$0x1FE30] =	vst v2;
	v23 =	vsel vm1, $0xFFFFFFFF, v23  }
0xec: {  	v2 =	vcvt.f32.s32 v51;
	vm1 =	vlt.u32 v3, $0x640;
	[tilespmem:$0x1FE80] =	vst v23;
	v23 =	vimm.s32 $0x0  }
0xed: {  	v24 =	vcvt.f32.s32 v7;
	v54 =	vcvt.f32.s32 v36;
	v23 =	vsel vm1, $0xFFFFFFFF, v23  }
0xee: {  	v61 =	vtrunc.f32 v38;
	vm1 =	vlt.u32 v2, $0x640;
	[tilespmem:$0x1FE90] =	vst v23;
	v23 =	vimm.s32 $0x0  }
0xef: {  	v55 =	vcvt.f32.s32 v39;
	v38 =	vcvt.f32.s32 v43;
	v23 =	vsel vm1, $0xFFFFFFFF, v23  }
0xf0: {  	v62 =	vld [tilespmem:$0x1FDD0];
	vm15 =	vlt.u32 v52, $0x580;
	v41 =	vtrunc.f32 v26;
	[tilespmem:$0x1FEA0] =	vst v23;
	v23 =	vcvt.f32.s32 v50  }
0xf1: {  	vm12 =	vlt.u32 v31, $0x580;
	v50 =	vcvt.f32.s32 v33;
	v33 =	vcvt.f32.s32 v63;
	v63 =	vld [tilespmem:$0x1FDE0]  }
0xf2: {  	vm15 =	vmand vm15, vm0;
	v26 =	vcvt.f32.s32 v56;
	v46 =	vtrunc.f32 v30  }
0xf3: {  	v9 =	vcvt.f32.s32 v11;
	vm5 =	vlt.u32 v25, $0x580;
	v36 =	vcvt.f32.s32 v46;
	v46 =	vld [tilespmem:$0x1FDF0]  }
0xf4: {  	vm6 =	vlt.u32 v24, $0x580;
	v14 =	vcvt.f32.s32 v61;
	v11 =	vcvt.f32.s32 v44  }
0xf5: {  	v44 =	vimm.s32 $0x0;
	v30 =	vcvt.f32.s32 v13;
	vm14 =	vnez.u8 v62;
	v48 =	vld [tilespmem:$0x1FE00]  }
0xf6: {  	v6 =	vcvt.f32.s32 v10;
	vm10 =	vmand vm10, vm14;
	vm14 =	vnez.u8 v63  }
0xf7: {  	v39 =	vcvt.f32.s32 v41;
	v13 =	vcvt.f32.s32 v57;
	v51 =	vld [tilespmem:$0x1FE10];
	vm9 =	vmand vm9, vm14  }
0xf8: {  	v10 =	vcvt.f32.s32 v47;
	v41 =	vsel vm9, $0xFFFFFFFF, v44;
	vm9 =	vnez.u8 v46  }
0xf9: {  	v47 =	vimm.s32 $0x0;
	v57 =	vimm.s32 $0x0;
	v56 =	vld [tilespmem:$0x1FE20];
	vm9 =	vmand vm13, vm9  }
0xfa: {  	v7 =	vcvt.f32.s32 v12;
	[tilespmem:$0x1FEB0] =	vst v41;
	v41 =	vsel vm9, $0xFFFFFFFF, v47;
	vm9 =	vnez.u8 v48  }
0xfb: {  	vm7 =	vlt.u32 v26, $0x580;
	vm3 =	vlt.u32 v9, $0x580;
	v59 =	vld [tilespmem:$0x1FE30];
	vm9 =	vmand vm12, vm9  }
0xfc: {  	vm11 =	vlt.u32 v30, $0x580;
	[tilespmem:$0x1FEC0] =	vst v41;
	v41 =	vsel vm9, $0xFFFFFFFF, v49;
	vm9 =	vnez.u8 v51  }
0xfd: {  	v12 =	vcvt.f32.s32 v42;
	v62 =	vimm.s32 $0x0;
	v61 =	vld [tilespmem:$0x1FE40];
	vm9 =	vmand vm11, vm9  }
0xfe: {  	vm0 =	vlt.u32 v7, $0x580;
	[tilespmem:$0x1FED0] =	vst v41;
	v41 =	vsel vm9, $0xFFFFFFFF, v53;
	vm9 =	vnez.u8 v56  }
0xff: {  	vm1 =	vlt.u32 v6, $0x580;
	vm4 =	vlt.u32 v23, $0x580;
	v63 =	vld [tilespmem:$0x1FE50];
	vm8 =	vmand vm8, vm9  }
0x100: {  	vm14 =	vlt.u32 v12, $0x28;
	[tilespmem:$0x1FEE0] =	vst v41;
	v41 =	vsel vm8, $0xFFFFFFFF, v57;
	vm8 =	vnez.u8 v59  }
0x101: {  	v44 =	vimm.s32 $0x0;
	v46 =	vld [tilespmem:$0x1FE60];
	vm13 =	vlt.u32 v13, $0x28;
	vm7 =	vmand vm7, vm8  }
0x102: {  	v47 =	vimm.s32 $0x0;
	[tilespmem:$0x1FEF0] =	vst v41;
	v41 =	vsel vm7, $0xFFFFFFFF, v60;
	vm7 =	vnez.u8 v61  }
0x103: {  	v48 =	vld [tilespmem:$0x1FE70];
	vm12 =	vlt.u32 v14, $0x28;
	v49 =	vimm.s32 $0x0;
	vm5 =	vmand vm5, vm7  }
0x104: {  	vm11 =	vlt.u32 v10, $0x28;
	[tilespmem:$0x1FF00] =	vst v41;
	v41 =	vsel vm5, $0xFFFFFFFF, v62;
	vm5 =	vnez.u8 v63  }
0x105: {  	v51 =	vld [tilespmem:$0x1FE80];
	v53 =	vimm.s32 $0x0;
	vm9 =	vlt.u32 v32, $0x28;
	vm5 =	vmand vm6, vm5  }
0x106: {  	v56 =	vld [tilespmem:$0x1FE90];
	v57 =	vimm.s32 $0x0;
	[tilespmem:$0x1FF10] =	vst v41;
	v41 =	vsel vm5, $0xFFFFFFFF, v44;
	vm5 =	vnez.u8 v46  }
0x107: {  	vm8 =	vlt.u32 v33, $0x28;
	v60 =	vimm.s32 $0x0;
	vm4 =	vmand vm4, vm5  }
0x108: {  	v59 =	vld [tilespmem:$0x1FEA0];
	v61 =	vimm.s32 $0x0;
	[tilespmem:$0x1FF20] =	vst v41;
	v41 =	vsel vm4, $0xFFFFFFFF, v47;
	vm4 =	vnez.u8 v48  }
0x109: {  	vm7 =	vlt.u32 v34, $0x28;
	v62 =	vld [tilespmem:$0x1FEB0];
	vm6 =	vlt.u32 v35, $0x28;
	vm3 =	vmand vm3, vm4  }
0x10a: {  	v63 =	vld [tilespmem:$0x1FEC0];
	vm5 =	vlt.u32 v36, $0x28;
	[tilespmem:$0x1FF30] =	vst v41;
	v41 =	vsel vm3, $0xFFFFFFFF, v49;
	vm3 =	vnez.u8 v51  }
0x10b: {  	v44 =	vld [tilespmem:$0x1FED0];
	vm4 =	vlt.u32 v38, $0x28;
	vm2 =	vmand vm2, vm3;
	vm3 =	vnez.u8 v56  }
0x10c: {  	v46 =	vld [tilespmem:$0x1FEE0];
	[tilespmem:$0x1FF40] =	vst v41;
	v41 =	vsel vm2, $0xFFFFFFFF, v53;
	vm2 =	vlt.u32 v50, $0x28;
	vm0 =	vmand vm0, vm3  }
0x10d: {  	v47 =	vld [tilespmem:$0x1FEF0];
	vm3 =	vlt.u32 v39, $0x28;
	[tilespmem:$0x1FF50] =	vst v41;
	v41 =	vsel vm0, $0xFFFFFFFF, v57;
	vm0 =	vnez.u8 v59  }
0x10e: {  	v48 =	vld [tilespmem:$0x1FF00];
	vm2 =	vmand vm15, vm2;
	vm15 =	vlt.u32 v11, $0x28;
	vm0 =	vmand vm1, vm0  }
0x10f: {  	v49 =	vld [tilespmem:$0x1FF10];
	[tilespmem:$0x1FF60] =	vst v41;
	vm1 =	vlt.u32 v55, $0x28;
	v41 =	vsel vm0, $0xFFFFFFFF, v60;
	vm0 =	vlt.u32 v54, $0x28  }
0x110: {  	v51 =	vld [tilespmem:$0x1FF20];
	v59 =	vnsel vm2, $0xFFFFFFFF, v52;
	vm0 =	vmand vm10, vm0;
	vm10 =	vnez.u8 v62  }
0x111: {  	v53 =	vld [tilespmem:$0x1FF30];
	v27 =	vnsel vm2, $0xFFFFFFFF, v27;
	[tilespmem:$0x1FF70] =	vst v41;
	v41 =	vsel vm11, $0xFFFFFFFF, v61;
	vm1 =	vmand vm10, vm1  }
0x112: {  	v56 =	vld [tilespmem:$0x1FF40];
	vm10 =	vnez.u8 v63;
	v63 =	vnsel vm2, $0xFFFFFFFF, v50;
	v43 =	vnsel vm0, $0xFFFFFFFF, v28  }
0x113: {  	v57 =	vld [tilespmem:$0x1FF50];
	v42 =	vnsel vm0, $0xFFFFFFFF, v54;
	vm11 =	vmand vm10, vm3;
	vm3 =	vnez.u8 v44  }
0x114: {  	v60 =	vld [tilespmem:$0x1FF60];
	v44 =	vnsel vm0, $0xFFFFFFFF, v45;
	vm10 =	vmand vm3, vm4;
	vm3 =	vnez.u8 v46  }
0x115: {  	[tilespmem:$0x1FF80] =	vst v41;
	v61 =	vld [tilespmem:$0x1FF70];
	v41 =	vnsel vm1, $0xFFFFFFFF, v58;
	vm3 =	vmand vm3, vm5;
	vm5 =	vnez.u8 v48  }
0x116: {  	s23 =	sadd.s32 $0x10, s23;
	v62 =	vld [tilespmem:$0x1FF80];
	vm4 =	vnez.u8 v47;
	vm7 =	vmand vm5, vm7;
	vm5 =	vnez.u8 v49  }
0x117: {  	p1 =	slt.u32 s23, $0x1E0;
	vm4 =	vmand vm4, vm6;
	vm6 =	vmand vm5, vm8;
	vm8 =	vnez.u8 v53  }
.Ltmp4:
0x118: {  	v37 =	vnsel vm1, $0xFFFFFFFF, v37;
	vm12 =	vmand vm8, vm12;
	vm8 =	vnez.u8 v56;
	(pc) =	sbr.rel @p1 .LBB2_3-.Ltmp4, $4  }
0x119: {  	vm5 =	vnez.u8 v51;
	vm13 =	vmand vm8, vm13;
	vm8 =	vnez.u8 v57  }
0x11a: {  	[tilespmem:s22+$0x1EC0] =	vst v59;
	vm5 =	vmand vm5, vm9;
	vm9 =	vmand vm8, vm14;
	vm8 =	vnez.u8 v60  }
0x11b: {  	[tilespmem:s22+$0xFFFFFF80] =	vst v27;
	vm14 =	vnez.u8 v62;
	vm15 =	vmand vm8, vm15;
	vm8 =	vnez.u8 v61  }
0x11c: {  	s25 =	simm.s32 $0x0;
	s24 =	sadd.s32 $0x100, s24;
	s21 =	smov.u32 s22;
	[tilespmem:s22+$0xFFFFE040] =	vst v63;
	v28 =	vnsel vm1, $0xFFFFFFFF, v55;
	v27 =	vnsel vm11, $0xFFFFFFFF, v40;
	vm8 =	vmand vm8, vm14  }
0x11d: {  	[tilespmem:s22+$0x1ED0] =	vst v44  }
0x11e: {  	[tilespmem:s22+$0xFFFFFF90] =	vst v43  }
0x11f: {  	[tilespmem:s22+$0xFFFFE050] =	vst v42  }
0x120: {  	[tilespmem:s22+$0x1EE0] =	vst v41  }
0x121: {  	[tilespmem:s22+$0xFFFFFFA0] =	vst v37  }
0x122: {  	[tilespmem:s22+$0xFFFFE060] =	vst v28  }
0x123: {  	v22 =	vnsel vm11, $0xFFFFFFFF, v22;
	[tilespmem:s22+$0x1EF0] =	vst v27  }
0x124: {  	v46 =	vnsel vm11, $0xFFFFFFFF, v39;
	[tilespmem:s22+$0xFFFFFFB0] =	vst v22  }
0x125: {  	v47 =	vnsel vm10, $0xFFFFFFFF, v31;
	[tilespmem:s22+$0xFFFFE070] =	vst v46  }
0x126: {  	v21 =	vnsel vm10, $0xFFFFFFFF, v21;
	[tilespmem:s22+$0x1F00] =	vst v47  }
0x127: {  	v48 =	vnsel vm10, $0xFFFFFFFF, v38;
	[tilespmem:s22+$0xFFFFFFC0] =	vst v21  }
0x128: {  	v49 =	vnsel vm3, $0xFFFFFFFF, v30;
	[tilespmem:s22+$0xFFFFE080] =	vst v48  }
0x129: {  	v20 =	vnsel vm3, $0xFFFFFFFF, v20;
	[tilespmem:s22+$0x1F10] =	vst v49  }
0x12a: {  	v50 =	vnsel vm3, $0xFFFFFFFF, v36;
	[tilespmem:s22+$0xFFFFFFD0] =	vst v20  }
0x12b: {  	v51 =	vnsel vm4, $0xFFFFFFFF, v29;
	[tilespmem:s22+$0xFFFFE090] =	vst v50  }
0x12c: {  	v53 =	vnsel vm7, $0xFFFFFFFF, v26;
	[tilespmem:s22+$0x1F20] =	vst v51  }
0x12d: {  	v18 =	vnsel vm7, $0xFFFFFFFF, v18;
	[tilespmem:s21+$0x1F30] =	vst v53  }
0x12e: {  	v54 =	vnsel vm7, $0xFFFFFFFF, v34;
	[tilespmem:s21+$0xFFFFFFF0] =	vst v18  }
0x12f: {  	v55 =	vnsel vm6, $0xFFFFFFFF, v25;
	[tilespmem:s21+$0xFFFFE0B0] =	vst v54  }
0x130: {  	v17 =	vnsel vm6, $0xFFFFFFFF, v17;
	[tilespmem:s21+$0x1F40] =	vst v55  }
0x131: {  	v56 =	vnsel vm6, $0xFFFFFFFF, v33;
	[tilespmem:s21+$0x0] =	vst v17  }
0x132: {  	v57 =	vnsel vm5, $0xFFFFFFFF, v24;
	[tilespmem:s21+$0xFFFFE0C0] =	vst v56  }
0x133: {  	v16 =	vnsel vm5, $0xFFFFFFFF, v16;
	[tilespmem:s21+$0x1F50] =	vst v57  }
0x134: {  	v58 =	vnsel vm5, $0xFFFFFFFF, v32;
	[tilespmem:s21+$0x10] =	vst v16  }
0x135: {  	v59 =	vnsel vm12, $0xFFFFFFFF, v23;
	[tilespmem:s21+$0xFFFFE0D0] =	vst v58  }
0x136: {  	v15 =	vnsel vm12, $0xFFFFFFFF, v15;
	[tilespmem:s21+$0x1F60] =	vst v59  }
0x137: {  	v14 =	vnsel vm12, $0xFFFFFFFF, v14;
	[tilespmem:s21+$0x20] =	vst v15  }
0x138: {  	v9 =	vnsel vm13, $0xFFFFFFFF, v9;
	[tilespmem:s21+$0xFFFFE0E0] =	vst v14  }
0x139: {  	v5 =	vnsel vm13, $0xFFFFFFFF, v5;
	[tilespmem:s21+$0x1F70] =	vst v9  }
0x13a: {  	v60 =	vnsel vm13, $0xFFFFFFFF, v13;
	[tilespmem:s21+$0x30] =	vst v5  }
0x13b: {  	v61 =	vnsel vm9, $0xFFFFFFFF, v8;
	[tilespmem:s21+$0xFFFFE0F0] =	vst v60  }
0x13c: {  	v4 =	vnsel vm9, $0xFFFFFFFF, v4;
	[tilespmem:s21+$0x1F80] =	vst v61  }
0x13d: {  	v62 =	vnsel vm9, $0xFFFFFFFF, v12;
	[tilespmem:s21+$0x40] =	vst v4  }
0x13e: {  	v63 =	vnsel vm15, $0xFFFFFFFF, v7;
	[tilespmem:s21+$0xFFFFE100] =	vst v62  }
0x13f: {  	v3 =	vnsel vm15, $0xFFFFFFFF, v3;
	[tilespmem:s21+$0x1F90] =	vst v63  }
0x140: {  	v2 =	vnsel vm8, $0xFFFFFFFF, v2;
	[tilespmem:s21+$0x50] =	vst v3  }
0x141: {  	v19 =	vnsel vm4, $0xFFFFFFFF, v19;
	[tilespmem:s21+$0x60] =	vst v2  }
0x142: {  	v52 =	vnsel vm4, $0xFFFFFFFF, v35;
	[tilespmem:s21+$0xFFFFFFE0] =	vst v19  }
0x143: {  	v3 =	vnsel vm15, $0xFFFFFFFF, v11;
	[tilespmem:s21+$0xFFFFE0A0] =	vst v52  }
0x144: {  	v2 =	vnsel vm8, $0xFFFFFFFF, v10;
	[tilespmem:s21+$0xFFFFE110] =	vst v3  }
0x145: {  	v3 =	vnsel vm8, $0xFFFFFFFF, v6;
	[tilespmem:s21+$0xFFFFE120] =	vst v2  }
0x146: {  	[tilespmem:s21+$0x1FA0] =	vst v3  }
.LBB2_5:
0x147: {  	s21 =	sshra.s32 s25, $0x2  }
0x148: {  	v2 =	vld [tilespmem:s21+$0x1F00]  }
0x149: {  	v3 =	vld [tilespmem:s21+$0x3E40]  }
0x14a: {  	v4 =	vld [tilespmem:s21+$0x5D80];
	_ =	sdelay $0x3  }
0x14b: {  	v3 =	vadd.f32 $4.000000000e+01, v3  }
0x14c: {  	v2 =	vmul.f32 v2, v0;
	v4 =	vadd.f32 $3.000000000e+00, v4  }
0x14d: {  	v3 =	vmul.f32 v3, v0  }
0x14e: {  	v2 =	vtrunc.f32 v2;
	v4 =	vmul.f32 v4, v1  }
0x14f: {  	v2 =	vcvt.f32.s32 v2;
	v3 =	vtrunc.f32 v3  }
0x150: {  	v4 =	vtrunc.f32 v4;
	v3 =	vcvt.f32.s32 v3  }
0x151: {  	v4 =	vcvt.f32.s32 v4  }
0x152: {  	vm0 =	vlt.u32 v2, $0x580;
	vm1 =	vlt.u32 v3, $0x640  }
0x153: {  	p1 =	sne.s32 s25, $0xC0;
	vm15 =	vlt.u32 v4, $0x28;
	vm0 =	vmand vm0, vm1  }
.Ltmp5:
0x154: {  	vm0 =	vmand vm0, vm15;
	(pc) =	sbr.rel @p1 .LBB2_5-.Ltmp5, $4  }
0x155: {  	v2 =	vnsel vm0, $0xFFFFFFFF, v2  }
0x156: {  	[tilespmem:s21+$0x11900] =	vst v2;
	v2 =	vnsel vm0, $0xFFFFFFFF, v3  }
0x157: {  	[tilespmem:s21+$0xF9C0] =	vst v2;
	v2 =	vnsel vm0, $0xFFFFFFFF, v4  }
0x158: {  	s25 =	sadd.s32 $0x40, s25;
	[tilespmem:s21+$0xDA80] =	vst v2  }
0x159: {  	s21 =	smul.u32 $0x3E8, s20;
	_ =	sdelay $0x1  }
0x15a: {  	p1 =	sgt.u32 s20, $0x3C;
	s20 =	sor.u32 $0x20, s20;
	s21 =	sadd.s32 s5, s21  }
0x15b: {  	[hbm4b:s21+s10] =	stream.strided.scatter [tilespmem:s14], [sflag:$0x3], $0x5DC0, s11, s10, $0x38;
	[tilespmem:$0x17700] =	vst v63  }
0x15c: {  	s22 =	simm.s32 @!p1 $0xF4240;
	s23 =	simm.s32 @!p1 $0x0;
	s21 =	simm.s32 @!p1 $0x1F40  }
0x15d: {  	[tilespmem:s23], [sflag:$0x1] =	stream.strided.gather @!p1 [hbm4b:s8+s21], $0x5DC0, s22, s21, $0x38;
	[tilespmem:$0x17700] =	vst v63  }
0x15e: {  	p1 =	sgt.u32 s20, $0x7C  }
.Ltmp6:
0x15f: {  	_ = 	snop;
	(pc) =	sbr.rel @p1 .LBB2_12-.Ltmp6, $1  }
0x160: {  	_ =	sdelay $0x3  }
0x161: {  	_ =	swait.ge [sflag:s15], $0x5DC0  }
0x162: {  	[sflag:s15] =	ssyncset.done $0x0  }
0x163: {  	s21 =	simm.s32 @!p0 $0x4;
	[sflag:s15] =	ssyncadd.s32 $0xFFFFA240  }
0x164: {  	_ =	swait.ge @!p0 [sflag:s21], $0x5DC0  }
0x165: {  	[sflag:s21] =	ssyncset.done @!p0 $0x0  }
0x166: {  	s31 =	simm.s32 $0x7D80;
	[sflag:s21] =	ssyncadd.s32 @!p0 $0xFFFFA240  }
0x167: {  	v2 =	vld [tilespmem:s31+$0xFFFFE130]  }
0x168: {  	v3 =	vld [tilespmem:s31+$0x70]  }
0x169: {  	v4 =	vld [tilespmem:s31+$0x1FB0]  }
0x16a: {  	v5 =	vld [tilespmem:s31+$0xFFFFFF80]  }
0x16b: {  	v6 =	vld [tilespmem:s31+$0xFFFFFF90]  }
0x16c: {  	v7 =	vld [tilespmem:s31+$0xFFFFFFA0]  }
0x16d: {  	v8 =	vld [tilespmem:s31+$0xFFFFFFB0]  }
0x16e: {  	v9 =	vld [tilespmem:s31+$0xFFFFFFC0]  }
0x16f: {  	v10 =	vld [tilespmem:s31+$0xFFFFFFD0]  }
0x170: {  	v11 =	vld [tilespmem:s31+$0xFFFFFFE0]  }
0x171: {  	v12 =	vld [tilespmem:s31+$0xFFFFFFF0]  }
0x172: {  	v13 =	vld [tilespmem:s31+$0x0];
	v3 =	vadd.f32 $4.000000000e+01, v3  }
0x173: {  	v14 =	vld [tilespmem:s31+$0x10];
	v4 =	vadd.f32 $3.000000000e+00, v4;
	v5 =	vadd.f32 $4.000000000e+01, v5  }
0x174: {  	v15 =	vld [tilespmem:s31+$0x20];
	v6 =	vadd.f32 $4.000000000e+01, v6;
	v7 =	vadd.f32 $4.000000000e+01, v7  }
0x175: {  	v16 =	vld [tilespmem:s31+$0x30];
	v8 =	vadd.f32 $4.000000000e+01, v8;
	v9 =	vadd.f32 $4.000000000e+01, v9  }
0x176: {  	v17 =	vld [tilespmem:s31+$0x40];
	v2 =	vmul.f32 v2, v0;
	v10 =	vadd.f32 $4.000000000e+01, v10;
	v11 =	vadd.f32 $4.000000000e+01, v11  }
0x177: {  	v18 =	vld [tilespmem:s31+$0x50];
	v12 =	vadd.f32 $4.000000000e+01, v12;
	v13 =	vadd.f32 $4.000000000e+01, v13;
	v3 =	vmul.f32 v3, v0  }
0x178: {  	v19 =	vld [tilespmem:s31+$0x60];
	v14 =	vadd.f32 $4.000000000e+01, v14;
	v2 =	vtrunc.f32 v2;
	v4 =	vmul.f32 v4, v1  }
0x179: {  	v20 =	vld [tilespmem:s31+$0x1EC0];
	v15 =	vadd.f32 $4.000000000e+01, v15;
	v5 =	vmul.f32 v5, v0;
	v6 =	vmul.f32 v6, v0  }
0x17a: {  	v21 =	vld [tilespmem:s31+$0x1ED0];
	v16 =	vadd.f32 $4.000000000e+01, v16;
	v7 =	vmul.f32 v7, v0;
	v8 =	vmul.f32 v8, v0  }
0x17b: {  	v17 =	vadd.f32 $4.000000000e+01, v17;
	v9 =	vmul.f32 v9, v0;
	v10 =	vmul.f32 v10, v0  }
0x17c: {  	v18 =	vadd.f32 $4.000000000e+01, v18;
	v11 =	vmul.f32 v11, v0;
	v12 =	vmul.f32 v12, v0  }
0x17d: {  	v19 =	vadd.f32 $4.000000000e+01, v19;
	v13 =	vmul.f32 v13, v0;
	v14 =	vmul.f32 v14, v0  }
0x17e: {  	v20 =	vadd.f32 $3.000000000e+00, v20;
	v15 =	vmul.f32 v15, v0;
	v16 =	vmul.f32 v16, v0  }
0x17f: {  	v22 =	vld [tilespmem:s31+$0x1EE0];
	v21 =	vadd.f32 $3.000000000e+00, v21;
	v17 =	vmul.f32 v17, v0;
	v18 =	vmul.f32 v18, v0  }
0x180: {  	v23 =	vld [tilespmem:s31+$0x1EF0];
	v19 =	vmul.f32 v19, v0;
	v29 =	vmul.f32 v20, v1  }
0x181: {  	v30 =	vmul.f32 v21, v1;
	v2 =	vcvt.f32.s32 v2  }
0x182: {  	v3 =	vtrunc.f32 v3;
	v4 =	vtrunc.f32 v4  }
0x183: {  	v5 =	vtrunc.f32 v5;
	v6 =	vtrunc.f32 v6  }
0x184: {  	v24 =	vld [tilespmem:s31+$0x1F00];
	v20 =	vadd.f32 $3.000000000e+00, v22;
	v7 =	vtrunc.f32 v7;
	v8 =	vtrunc.f32 v8  }
0x185: {  	v25 =	vld [tilespmem:s31+$0x1F10];
	v21 =	vadd.f32 $3.000000000e+00, v23;
	v9 =	vtrunc.f32 v9;
	v10 =	vtrunc.f32 v10  }
0x186: {  	v31 =	vmul.f32 v20, v1;
	v11 =	vtrunc.f32 v11  }
0x187: {  	v26 =	vld [tilespmem:s31+$0x1F20];
	v32 =	vmul.f32 v21, v1;
	v12 =	vtrunc.f32 v12  }
0x188: {  	v22 =	vld [tilespmem:s31+$0x1F30];
	v13 =	vtrunc.f32 v13;
	v14 =	vtrunc.f32 v14  }
0x189: {  	v23 =	vld [tilespmem:s31+$0x1F40];
	v20 =	vadd.f32 $3.000000000e+00, v24;
	v15 =	vtrunc.f32 v15;
	v43 =	vtrunc.f32 v19  }
0x18a: {  	v24 =	vld [tilespmem:s31+$0x1F50];
	v21 =	vadd.f32 $3.000000000e+00, v25;
	v3 =	vcvt.f32.s32 v3;
	v4 =	vcvt.f32.s32 v4  }
0x18b: {  	v25 =	vld [tilespmem:s31+$0x1F60];
	v27 =	vcvt.f32.s32 v5;
	v28 =	vcvt.f32.s32 v6;
	vm0 =	vlt.u32 v2, $0x580  }
0x18c: {  	v5 =	vld [tilespmem:s31+$0xFFFFE080];
	v15 =	vcvt.f32.s32 v15;
	v33 =	vmul.f32 v20, v1;
	v20 =	vadd.f32 $3.000000000e+00, v26  }
0x18d: {  	v6 =	vld [tilespmem:s31+$0xFFFFE090];
	v34 =	vmul.f32 v21, v1;
	v21 =	vadd.f32 $3.000000000e+00, v22;
	vm1 =	vlt.u32 v3, $0x640  }
0x18e: {  	v26 =	vld [tilespmem:s31+$0x1F70];
	v35 =	vmul.f32 v20, v1;
	v20 =	vadd.f32 $3.000000000e+00, v23;
	vm0 =	vmand vm0, vm1  }
0x18f: {  	v22 =	vld [tilespmem:s31+$0x1F80];
	vm1 =	vlt.u32 v4, $0x28;
	v36 =	vmul.f32 v21, v1;
	v21 =	vadd.f32 $3.000000000e+00, v24  }
0x190: {  	v37 =	vld [tilespmem:s31+$0xFFFFE050];
	v24 =	vtrunc.f32 v16;
	vm2 =	vmand vm0, vm1;
	v38 =	vmul.f32 v20, v1  }
0x191: {  	v23 =	vld [tilespmem:s31+$0x1F90];
	v20 =	vadd.f32 $3.000000000e+00, v25;
	v25 =	vtrunc.f32 v17;
	v5 =	vmul.f32 v5, v0  }
0x192: {  	v16 =	vld [tilespmem:s31+$0x1FA0];
	v6 =	vmul.f32 v6, v0;
	v60 =	vnsel vm2, $0xFFFFFFFF, v2;
	v2 =	vcvt.f32.s32 v43  }
0x193: {  	v17 =	vld [tilespmem:s31+$0xFFFFE060];
	v39 =	vmul.f32 v21, v1;
	v21 =	vadd.f32 $3.000000000e+00, v26;
	v26 =	vtrunc.f32 v18  }
0x194: {  	v42 =	vmul.f32 v20, v1;
	v20 =	vadd.f32 $3.000000000e+00, v22;
	v50 =	vtrunc.f32 v5  }
0x195: {  	v41 =	vnsel vm2, $0xFFFFFFFF, v3;
	v18 =	vld [tilespmem:s31+$0xFFFFE070];
	v6 =	vtrunc.f32 v6;
	v3 =	vcvt.f32.s32 v26  }
0x196: {  	v22 =	vld [tilespmem:s31+$0xFFFFE040];
	v44 =	vmul.f32 v21, v1;
	v19 =	vadd.f32 $3.000000000e+00, v23;
	v23 =	vmul.f32 v20, v1  }
0x197: {  	v16 =	vadd.f32 $3.000000000e+00, v16;
	v20 =	vmul.f32 v37, v0;
	v37 =	vcvt.f32.s32 v7  }
0x198: {  	v21 =	vld [tilespmem:s31+$0xFFFFE0A0];
	v45 =	vmul.f32 v19, v1;
	v17 =	vmul.f32 v17, v0  }
0x199: {  	v46 =	vmul.f32 v16, v1;
	v47 =	vtrunc.f32 v20  }
0x19a: {  	v16 =	vmul.f32 v18, v0;
	v62 =	vtrunc.f32 v23  }
0x19b: {  	v40 =	vnsel vm2, $0xFFFFFFFF, v4;
	v19 =	vld [tilespmem:s31+$0xFFFFE0B0];
	v48 =	vtrunc.f32 v17;
	v4 =	vmul.f32 v22, v0  }
0x19c: {  	v18 =	vld [tilespmem:s31+$0xFFFFE0C0];
	v22 =	vcvt.f32.s32 v8;
	v47 =	vcvt.f32.s32 v47  }
0x19d: {  	vm1 =	vlt.u32 v27, $0x640;
	v17 =	vld [tilespmem:s31+$0xFFFFE0D0];
	v49 =	vtrunc.f32 v16;
	v5 =	vmul.f32 v21, v0  }
0x19e: {  	vm0 =	vlt.u32 v28, $0x640;
	v16 =	vld [tilespmem:s31+$0xFFFFE0E0];
	v48 =	vcvt.f32.s32 v48;
	v7 =	vtrunc.f32 v4  }
0x19f: {  	v20 =	vld [tilespmem:s31+$0xFFFFE0F0];
	vm2 =	vlt.u32 v37, $0x640;
	v4 =	vcvt.f32.s32 v25;
	v49 =	vcvt.f32.s32 v49  }
0x1a0: {  	v8 =	vimm.s32 $0x0;
	v19 =	vmul.f32 v19, v0;
	v51 =	vtrunc.f32 v5  }
0x1a1: {  	vm3 =	vlt.u32 v22, $0x640;
	v63 =	vcvt.f32.s32 v7;
	v5 =	vmul.f32 v18, v0  }
0x1a2: {  	v7 =	vimm.s32 $0x0;
	v52 =	vtrunc.f32 v19;
	v17 =	vmul.f32 v17, v0  }
0x1a3: {  	v21 =	vld [tilespmem:s31+$0xFFFFE100];
	vm8 =	vlt.u32 v4, $0x640;
	v53 =	vtrunc.f32 v5;
	v5 =	vmul.f32 v16, v0  }
0x1a4: {  	v8 =	vsel vm8, $0xFFFFFFFF, v8;
	v16 =	vmul.f32 v20, v0;
	v20 =	vcvt.f32.s32 v10  }
0x1a5: {  	v18 =	vld [tilespmem:s31+$0xFFFFE110];
	vm8 =	vlt.u32 v2, $0x640;
	v10 =	vtrunc.f32 v29;
	v29 =	vcvt.f32.s32 v51  }
0x1a6: {  	v7 =	vsel vm8, $0xFFFFFFFF, v7;
	v26 =	vcvt.f32.s32 v52;
	v54 =	vtrunc.f32 v17  }
0x1a7: {  	vm8 =	vlt.u32 v63, $0x580;
	v17 =	vcvt.f32.s32 v13;
	v25 =	vcvt.f32.s32 v53  }
0x1a8: {  	v19 =	vld [tilespmem:s31+$0xFFFFE120];
	vm8 =	vmand vm8, vm1;
	v55 =	vtrunc.f32 v5;
	v5 =	vmul.f32 v21, v0  }
0x1a9: {  	vm1 =	vlt.u32 v47, $0x580;
	v56 =	vtrunc.f32 v16;
	v21 =	vcvt.f32.s32 v9  }
0x1aa: {  	vm5 =	vlt.u32 v20, $0x640;
	vm9 =	vmand vm1, vm0;
	v16 =	vmul.f32 v18, v0  }
0x1ab: {  	vm0 =	vlt.u32 v48, $0x580;
	v18 =	vcvt.f32.s32 v12;
	v12 =	vtrunc.f32 v31  }
0x1ac: {  	vm15 =	vlt.u32 v17, $0x640;
	v31 =	vcvt.f32.s32 v50;
	vm11 =	vmand vm0, vm2  }
0x1ad: {  	vm0 =	vlt.u32 v49, $0x580;
	v57 =	vtrunc.f32 v5;
	v5 =	vmul.f32 v19, v0  }
0x1ae: {  	v19 =	vcvt.f32.s32 v11;
	vm4 =	vlt.u32 v21, $0x640;
	v11 =	vtrunc.f32 v30  }
0x1af: {  	v30 =	vcvt.f32.s32 v6;
	vm3 =	vmand vm0, vm3;
	v58 =	vtrunc.f32 v16  }
0x1b0: {  	v16 =	vcvt.f32.s32 v14;
	vm7 =	vlt.u32 v18, $0x640;
	vm0 =	vlt.u32 v31, $0x580  }
0x1b1: {  	v59 =	vtrunc.f32 v5;
	vm4 =	vmand vm0, vm4;
	vm0 =	vlt.u32 v30, $0x580  }
0x1b2: {  	vm6 =	vlt.u32 v19, $0x640;
	vm5 =	vmand vm0, vm5;
	vm0 =	vlt.u32 v29, $0x580  }
0x1b3: {  	v5 =	vcvt.f32.s32 v24;
	vm6 =	vmand vm0, vm6;
	vm0 =	vlt.u32 v26, $0x580  }
0x1b4: {  	v24 =	vcvt.f32.s32 v54;
	vm7 =	vmand vm0, vm7;
	vm0 =	vlt.u32 v25, $0x580  }
0x1b5: {  	v23 =	vcvt.f32.s32 v55;
	v6 =	vimm.s32 $0x0;
	vm0 =	vmand vm0, vm15  }
0x1b6: {  	vm12 =	vlt.u32 v16, $0x640;
	v6 =	vsel vm0, $0xFFFFFFFF, v6;
	vm0 =	vlt.u32 v24, $0x580  }
0x1b7: {  	vm10 =	vlt.u32 v15, $0x640;
	vm12 =	vmand vm0, vm12;
	vm0 =	vlt.u32 v23, $0x580  }
0x1b8: {  	v50 =	vcvt.f32.s32 v10;
	v10 =	vimm.s32 $0x0;
	vm0 =	vmand vm0, vm10  }
0x1b9: {  	[tilespmem:$0x1FD60] =	vst v8;
	v10 =	vsel vm0, $0xFFFFFFFF, v10  }
0x1ba: {  	[tilespmem:$0x1FD90] =	vst v10;
	v10 =	vld [tilespmem:$0x1FD60]  }
0x1bb: {  	v43 =	vtrunc.f32 v38;
	v61 =	vtrunc.f32 v39  }
0x1bc: {  	v42 =	vtrunc.f32 v42;
	v9 =	vcvt.f32.s32 v56  }
0x1bd: {  	vm13 =	vlt.u32 v3, $0x640;
	v44 =	vtrunc.f32 v44;
	v8 =	vcvt.f32.s32 v57  }
0x1be: {  	[tilespmem:$0x1FD70] =	vst v7;
	v7 =	vcvt.f32.s32 v58;
	vm14 =	vlt.u32 v5, $0x640;
	vm0 =	vlt.u32 v9, $0x580  }
0x1bf: {  	vm2 =	vmand vm0, vm14;
	vm0 =	vlt.u32 v8, $0x580;
	vm1 =	vnez.u8 v10  }
0x1c0: {  	v45 =	vtrunc.f32 v45;
	vm15 =	vmand vm0, vm1;
	vm0 =	vlt.u32 v7, $0x580  }
0x1c1: {  	v46 =	vtrunc.f32 v46;
	v10 =	vimm.s32 $0x0;
	vm0 =	vmand vm0, vm13  }
0x1c2: {  	v13 =	vtrunc.f32 v32;
	v32 =	vtrunc.f32 v34;
	v10 =	vsel vm0, $0xFFFFFFFF, v10  }
0x1c3: {  	v34 =	vtrunc.f32 v36;
	v39 =	vcvt.f32.s32 v13;
	[tilespmem:$0x1FDA0] =	vst v10;
	v10 =	vld [tilespmem:$0x1FD70]  }
0x1c4: {  	v36 =	vcvt.f32.s32 v32;
	v34 =	vcvt.f32.s32 v34  }
0x1c5: {  	v32 =	vcvt.f32.s32 v61;
	v13 =	vcvt.f32.s32 v44  }
0x1c6: {  	v14 =	vtrunc.f32 v33;
	[tilespmem:$0x1FD80] =	vst v6;
	v6 =	vcvt.f32.s32 v59  }
0x1c7: {  	v33 =	vtrunc.f32 v35;
	v56 =	vcvt.f32.s32 v11  }
0x1c8: {  	v57 =	vcvt.f32.s32 v12;
	vm0 =	vlt.u32 v6, $0x580;
	vm1 =	vnez.u8 v10  }
0x1c9: {  	vm10 =	vlt.u32 v50, $0x28;
	v59 =	vld [tilespmem:$0x1FD90];
	v10 =	vimm.s32 $0x0;
	vm0 =	vmand vm0, vm1  }
0x1ca: {  	v10 =	vsel vm0, $0xFFFFFFFF, v10;
	vm0 =	vmand vm8, vm10;
	vm8 =	vlt.u32 v56, $0x28  }
0x1cb: {  	v12 =	vcvt.f32.s32 v62;
	vm14 =	vmand vm9, vm8;
	vm8 =	vlt.u32 v57, $0x28  }
0x1cc: {  	v11 =	vcvt.f32.s32 v45;
	[tilespmem:$0x1FDB0] =	vst v10;
	v10 =	vimm.s32 $0x0;
	vm1 =	vmand vm11, vm8  }
0x1cd: {  	v38 =	vcvt.f32.s32 v14;
	v35 =	vcvt.f32.s32 v33;
	v10 =	vsel vm1, $0xFFFFFFFF, v10  }
0x1ce: {  	s22 =	simm.s32 $0x13900;
	v33 =	vcvt.f32.s32 v43;
	v14 =	vcvt.f32.s32 v42;
	vm9 =	vnez.u8 v59;
	[tilespmem:$0x1FDC0] =	vst v10  }
0x1cf: {  	v58 =	vld [tilespmem:$0x1FD80];
	v62 =	vnsel vm0, $0xFFFFFFFF, v63;
	v27 =	vnsel vm0, $0xFFFFFFFF, v27;
	v63 =	vnsel vm0, $0xFFFFFFFF, v50;
	[tilespmem:s22+$0xFFFFE130] =	vst v40  }
0x1d0: {  	vm8 =	vlt.u32 v39, $0x28;
	v44 =	vnsel vm14, $0xFFFFFFFF, v47;
	v43 =	vnsel vm14, $0xFFFFFFFF, v28;
	[tilespmem:s22+$0x1FB0] =	vst v60  }
0x1d1: {  	v42 =	vnsel vm14, $0xFFFFFFFF, v56;
	vm11 =	vmand vm3, vm8;
	vm3 =	vlt.u32 v38, $0x28;
	v40 =	vld [tilespmem:$0x1FDA0]  }
0x1d2: {  	vm1 =	vlt.u32 v35, $0x28;
	vm10 =	vmand vm4, vm3;
	vm3 =	vlt.u32 v36, $0x28;
	v61 =	vld [tilespmem:$0x1FDB0];
	[tilespmem:s22+$0x70] =	vst v41  }
0x1d3: {  	vm4 =	vmand vm6, vm1;
	vm1 =	vlt.u32 v34, $0x28;
	vm3 =	vmand vm5, vm3;
	[tilespmem:s22+$0x1EC0] =	vst v62  }
0x1d4: {  	vm7 =	vmand vm7, vm1;
	vm1 =	vlt.u32 v33, $0x28;
	vm5 =	vnez.u8 v58;
	[tilespmem:s22+$0xFFFFFF80] =	vst v27  }
0x1d5: {  	vm8 =	vlt.u32 v13, $0x28;
	vm6 =	vmand vm5, vm1;
	vm1 =	vlt.u32 v32, $0x28;
	v27 =	vld [tilespmem:$0x1FDC0]  }
0x1d6: {  	v10 =	vcvt.f32.s32 v46;
	vm5 =	vmand vm12, vm1;
	vm1 =	vlt.u32 v14, $0x28  }
0x1d7: {  	vm13 =	vmand vm2, vm8;
	vm2 =	vlt.u32 v12, $0x28;
	vm12 =	vmand vm9, vm1  }
0x1d8: {  	vm9 =	vmand vm15, vm2;
	vm2 =	vlt.u32 v11, $0x28;
	vm8 =	vnez.u8 v40  }
0x1d9: {  	vm1 =	vlt.u32 v10, $0x28;
	vm15 =	vmand vm8, vm2;
	vm2 =	vnez.u8 v61  }
0x1da: {  	vm0 =	vnez.u8 v27;
	v27 =	vnsel vm11, $0xFFFFFFFF, v49;
	vm8 =	vmand vm2, vm1  }
0x1db: {  	s23 =	simm.s32 $0x0;
	s24 =	simm.s32 $0x7E80;
	s21 =	simm.s32 $0x13900;
	[tilespmem:s22+$0xFFFFE040] =	vst v63;
	v41 =	vnsel vm0, $0xFFFFFFFF, v48;
	v37 =	vnsel vm0, $0xFFFFFFFF, v37;
	v28 =	vnsel vm0, $0xFFFFFFFF, v57  }
.LBB2_8:
0x1dc: {  	v40 =	vld [tilespmem:s24+$0xFFFFE130]  }
0x1dd: {  	v55 =	vld [tilespmem:s24+$0x70]  }
0x1de: {  	v56 =	vld [tilespmem:s24+$0x1FB0]  }
0x1df: {  	v22 =	vnsel vm11, $0xFFFFFFFF, v22;
	v57 =	vld [tilespmem:s24+$0xFFFFFF80]  }
0x1e0: {  	[tilespmem:s22+$0x1ED0] =	vst v44;
	v39 =	vnsel vm11, $0xFFFFFFFF, v39;
	v31 =	vnsel vm10, $0xFFFFFFFF, v31;
	v21 =	vnsel vm10, $0xFFFFFFFF, v21;
	v59 =	vld [tilespmem:s24+$0xFFFFFFB0]  }
0x1e1: {  	[tilespmem:s22+$0xFFFFFF90] =	vst v43;
	v38 =	vnsel vm10, $0xFFFFFFFF, v38;
	v30 =	vnsel vm3, $0xFFFFFFFF, v30;
	v20 =	vnsel vm3, $0xFFFFFFFF, v20;
	v45 =	vld [tilespmem:s24+$0xFFFFFFC0]  }
0x1e2: {  	[tilespmem:s22+$0xFFFFE050] =	vst v42;
	v36 =	vnsel vm3, $0xFFFFFFFF, v36;
	v29 =	vnsel vm4, $0xFFFFFFFF, v29;
	v19 =	vnsel vm4, $0xFFFFFFFF, v19;
	v61 =	vld [tilespmem:s24+$0xFFFFFFD0]  }
0x1e3: {  	[tilespmem:s22+$0x1EE0] =	vst v41;
	v35 =	vnsel vm4, $0xFFFFFFFF, v35;
	v26 =	vnsel vm7, $0xFFFFFFFF, v26;
	v18 =	vnsel vm7, $0xFFFFFFFF, v18;
	v46 =	vld [tilespmem:s24+$0xFFFFFFE0]  }
0x1e4: {  	[tilespmem:s22+$0xFFFFFFA0] =	vst v37;
	v34 =	vnsel vm7, $0xFFFFFFFF, v34;
	v25 =	vnsel vm6, $0xFFFFFFFF, v25;
	v17 =	vnsel vm6, $0xFFFFFFFF, v17;
	v50 =	vld [tilespmem:s24+$0x10]  }
0x1e5: {  	v24 =	vnsel vm5, $0xFFFFFFFF, v24;
	[tilespmem:s22+$0x1EF0] =	vst v27;
	v27 =	vnsel vm5, $0xFFFFFFFF, v16;
	v32 =	vnsel vm5, $0xFFFFFFFF, v32  }
0x1e6: {  	v52 =	vld [tilespmem:s24+$0x30];
	v5 =	vnsel vm13, $0xFFFFFFFF, v5;
	[tilespmem:s22+$0xFFFFFFB0] =	vst v22;
	v44 =	vadd.f32 $4.000000000e+01, v55;
	v60 =	vadd.f32 $3.000000000e+00, v56  }
0x1e7: {  	v58 =	vld [tilespmem:s24+$0xFFFFFF90];
	v22 =	vnsel vm12, $0xFFFFFFFF, v23;
	[tilespmem:s22+$0xFFFFFFC0] =	vst v21;
	v23 =	vadd.f32 $4.000000000e+01, v57;
	v21 =	vadd.f32 $4.000000000e+01, v59  }
0x1e8: {  	v37 =	vld [tilespmem:s24+$0xFFFFFFA0];
	[tilespmem:s22+$0x1F10] =	vst v30;
	v16 =	vmul.f32 v40, v0;
	v49 =	vadd.f32 $4.000000000e+01, v45;
	v30 =	vadd.f32 $4.000000000e+01, v61  }
0x1e9: {  	v47 =	vld [tilespmem:s24+$0xFFFFFFF0];
	[tilespmem:s22+$0xFFFFFFD0] =	vst v20;
	v20 =	vadd.f32 $4.000000000e+01, v46;
	v56 =	vadd.f32 $4.000000000e+01, v50;
	v62 =	vmul.f32 v44, v0  }
0x1ea: {  	v51 =	vld [tilespmem:s24+$0x20];
	v44 =	vnsel vm12, $0xFFFFFFFF, v15;
	v15 =	vtrunc.f32 v16;
	v40 =	vmul.f32 v60, v1  }
0x1eb: {  	[tilespmem:s21+$0xFFFFFFE0] =	vst v19;
	v41 =	vadd.f32 $4.000000000e+01, v52;
	v23 =	vmul.f32 v23, v0;
	v19 =	vmul.f32 v21, v0  }
0x1ec: {  	[tilespmem:s22+$0x1F00] =	vst v31;
	v63 =	vadd.f32 $4.000000000e+01, v58;
	v21 =	vmul.f32 v49, v0;
	v30 =	vmul.f32 v30, v0  }
0x1ed: {  	[tilespmem:s22+$0xFFFFE080] =	vst v38;
	v31 =	vadd.f32 $4.000000000e+01, v37;
	v59 =	vmul.f32 v20, v0;
	v38 =	vmul.f32 v56, v0  }
0x1ee: {  	v37 =	vadd.f32 $4.000000000e+01, v47;
	v46 =	vmul.f32 v41, v0;
	v16 =	vcvt.f32.s32 v15  }
0x1ef: {  	v48 =	vld [tilespmem:s24+$0x0];
	[tilespmem:s22+$0x1F20] =	vst v29;
	v20 =	vadd.f32 $4.000000000e+01, v51;
	v53 =	vmul.f32 v63, v0;
	v29 =	vmul.f32 v31, v0  }
0x1f0: {  	v54 =	vld [tilespmem:s24+$0x40];
	v4 =	vnsel vm9, $0xFFFFFFFF, v4;
	v37 =	vmul.f32 v37, v0;
	v15 =	vtrunc.f32 v62  }
0x1f1: {  	v3 =	vnsel vm15, $0xFFFFFFFF, v3;
	v40 =	vtrunc.f32 v40;
	v42 =	vmul.f32 v20, v0  }
0x1f2: {  	v2 =	vnsel vm8, $0xFFFFFFFF, v2;
	[tilespmem:s21+$0x0] =	vst v17;
	v55 =	vld [tilespmem:s24+$0x50];
	v47 =	vtrunc.f32 v23;
	v17 =	vtrunc.f32 v19  }
0x1f3: {  	[tilespmem:s22+$0xFFFFE060] =	vst v28;
	v28 =	vnsel vm6, $0xFFFFFFFF, v33;
	v57 =	vld [tilespmem:s24+$0x60];
	v19 =	vtrunc.f32 v21;
	v33 =	vtrunc.f32 v59  }
0x1f4: {  	[tilespmem:s22+$0xFFFFE070] =	vst v39;
	v58 =	vld [tilespmem:s24+$0x1EC0];
	v31 =	vadd.f32 $4.000000000e+01, v48;
	v41 =	vtrunc.f32 v38;
	v46 =	vtrunc.f32 v46  }
0x1f5: {  	[tilespmem:s22+$0xFFFFE090] =	vst v36;
	v60 =	vld [tilespmem:s24+$0x1ED0];
	v20 =	vadd.f32 $4.000000000e+01, v54;
	v15 =	vcvt.f32.s32 v15;
	v40 =	vcvt.f32.s32 v40  }
0x1f6: {  	[tilespmem:s21+$0x1F30] =	vst v26;
	v26 =	vld [tilespmem:s24+$0x1EE0];
	vm5 =	vlt.u32 v16, $0x580;
	v31 =	vmul.f32 v31, v0;
	v50 =	vtrunc.f32 v53  }
0x1f7: {  	[tilespmem:s21+$0xFFFFFFF0] =	vst v18;
	v61 =	vld [tilespmem:s24+$0x1EF0];
	v23 =	vadd.f32 $4.000000000e+01, v55;
	v18 =	vtrunc.f32 v29;
	v36 =	vtrunc.f32 v37  }
0x1f8: {  	[tilespmem:s21+$0xFFFFE0B0] =	vst v34;
	v52 =	vld [tilespmem:s24+$0xFFFFE050];
	v48 =	vmul.f32 v20, v0;
	v20 =	vadd.f32 $4.000000000e+01, v57;
	v43 =	vtrunc.f32 v42  }
0x1f9: {  	[tilespmem:s21+$0x1F40] =	vst v25;
	v62 =	vld [tilespmem:s24+$0x1F00];
	v25 =	vadd.f32 $3.000000000e+00, v58;
	v37 =	vcvt.f32.s32 v18;
	v18 =	vcvt.f32.s32 v36  }
0x1fa: {  	v21 =	vld [tilespmem:s24+$0x1F30];
	vm6 =	vlt.u32 v15, $0x640;
	v63 =	vmul.f32 v23, v0;
	v56 =	vadd.f32 $3.000000000e+00, v60  }
0x1fb: {  	[tilespmem:s21+$0xFFFFE0A0] =	vst v35;
	v29 =	vld [tilespmem:s24+$0x1F10];
	v39 =	vtrunc.f32 v31;
	vm5 =	vmand vm5, vm6;
	vm6 =	vlt.u32 v40, $0x28  }
0x1fc: {  	[tilespmem:s21+$0x1F50] =	vst v24;
	v57 =	vld [tilespmem:s24+$0x1F20];
	v51 =	vmul.f32 v20, v0;
	v23 =	vmul.f32 v25, v1;
	v25 =	vadd.f32 $3.000000000e+00, v26  }
0x1fd: {  	[tilespmem:s21+$0xFFFFE0C0] =	vst v28;
	v26 =	vadd.f32 $3.000000000e+00, v61;
	v20 =	vtrunc.f32 v30;
	v48 =	vtrunc.f32 v48  }
0x1fe: {  	[tilespmem:s21+$0x10] =	vst v27;
	v28 =	vld [tilespmem:s24+$0x1F40];
	vm5 =	vmand vm5, vm6;
	v24 =	vmul.f32 v56, v1;
	v49 =	vtrunc.f32 v63  }
0x1ff: {  	v58 =	vld [tilespmem:s24+$0x1F50];
	v27 =	vadd.f32 $3.000000000e+00, v62;
	v56 =	vmul.f32 v52, v0;
	v20 =	vcvt.f32.s32 v20  }
0x200: {  	v59 =	vld [tilespmem:s24+$0x1F60];
	v21 =	vadd.f32 $3.000000000e+00, v21;
	v25 =	vmul.f32 v25, v1;
	v26 =	vmul.f32 v26, v1  }
0x201: {  	[tilespmem:s21+$0x1F60] =	vst v22;
	v30 =	vadd.f32 $3.000000000e+00, v29;
	v29 =	vmul.f32 v27, v1;
	v22 =	vadd.f32 $3.000000000e+00, v57;
	v27 =	vld [tilespmem:s24+$0x1F70]  }
0x202: {  	[tilespmem:s21+$0xFFFFE0D0] =	vst v32;
	v60 =	vld [tilespmem:s24+$0x1F80];
	v40 =	vnsel vm5, $0xFFFFFFFF, v40;
	v51 =	vtrunc.f32 v51;
	v32 =	vmul.f32 v21, v1  }
0x203: {  	v45 =	vtrunc.f32 v56;
	v31 =	vmul.f32 v22, v1;
	v22 =	vadd.f32 $3.000000000e+00, v28;
	v28 =	vld [tilespmem:s24+$0x1F90]  }
0x204: {  	v61 =	vld [tilespmem:s24+$0x1FA0];
	v21 =	vadd.f32 $3.000000000e+00, v58;
	v36 =	vtrunc.f32 v24;
	v30 =	vmul.f32 v30, v1  }
0x205: {  	v45 =	vcvt.f32.s32 v45;
	v34 =	vmul.f32 v22, v1;
	v22 =	vadd.f32 $3.000000000e+00, v59  }
0x206: {  	s22 =	sadd.s32 $0x100, s22;
	v53 =	vld [tilespmem:s24+$0xFFFFE070];
	v35 =	vmul.f32 v21, v1;
	v32 =	vtrunc.f32 v32;
	v21 =	vadd.f32 $3.000000000e+00, v27  }
0x207: {  	v62 =	vld [tilespmem:s24+$0xFFFFE060];
	[tilespmem:s22+$0xFFFFE130] =	vst v40;
	v27 =	vcvt.f32.s32 v47;
	v38 =	vmul.f32 v22, v1;
	v22 =	vadd.f32 $3.000000000e+00, v60  }
0x208: {  	v60 =	vld [tilespmem:s24+$0xFFFFE100];
	[tilespmem:s21+$0x40] =	vst v4;
	v4 =	vnsel vm9, $0xFFFFFFFF, v12;
	v40 =	vmul.f32 v21, v1;
	v21 =	vadd.f32 $3.000000000e+00, v28  }
0x209: {  	[tilespmem:s21+$0x20] =	vst v44;
	v28 =	vcvt.f32.s32 v50;
	v42 =	vmul.f32 v22, v1;
	v22 =	vadd.f32 $3.000000000e+00, v61  }
0x20a: {  	v63 =	vld [tilespmem:s24+$0xFFFFE090];
	[tilespmem:s21+$0xFFFFE100] =	vst v4;
	v4 =	vnsel vm15, $0xFFFFFFFF, v7;
	v61 =	vnsel vm13, $0xFFFFFFFF, v9;
	v44 =	vmul.f32 v21, v1  }
0x20b: {  	v54 =	vld [tilespmem:s24+$0xFFFFE080];
	vm1 =	vlt.u32 v28, $0x640;
	v21 =	vimm.s32 $0x0;
	[tilespmem:s21+$0x1F70] =	vst v61;
	v47 =	vmul.f32 v22, v1  }
0x20c: {  	v61 =	vld [tilespmem:s24+$0xFFFFE110];
	[tilespmem:s21+$0x1F90] =	vst v4;
	v21 =	vsel vm1, $0xFFFFFFFF, v21;
	v22 =	vmul.f32 v53, v0;
	v42 =	vtrunc.f32 v42  }
0x20d: {  	v55 =	vnsel vm12, $0xFFFFFFFF, v14;
	v58 =	vld [tilespmem:s24+$0xFFFFE0B0];
	[tilespmem:$0x1FBA0] =	vst v21;
	v21 =	vmul.f32 v62, v0;
	v4 =	vmul.f32 v60, v0  }
0x20e: {  	vm10 =	vlt.u32 v45, $0x580;
	v60 =	vtrunc.f32 v35;
	v44 =	vtrunc.f32 v44  }
0x20f: {  	v57 =	vld [tilespmem:s24+$0xFFFFE0A0];
	vm0 =	vlt.u32 v27, $0x640;
	v9 =	vtrunc.f32 v22;
	v22 =	vmul.f32 v63, v0  }
0x210: {  	v59 =	vld [tilespmem:s24+$0xFFFFE0C0];
	[tilespmem:s21+$0x50] =	vst v3;
	v3 =	vnsel vm15, $0xFFFFFFFF, v11;
	v47 =	vtrunc.f32 v47;
	v14 =	vtrunc.f32 v21  }
0x211: {  	v12 =	vld [tilespmem:s24+$0xFFFFE040];
	[tilespmem:s21+$0xFFFFE110] =	vst v3;
	v3 =	vnsel vm8, $0xFFFFFFFF, v6;
	v21 =	vmul.f32 v54, v0;
	v6 =	vtrunc.f32 v4  }
0x212: {  	v63 =	vld [tilespmem:s24+$0xFFFFE0F0];
	[tilespmem:s21+$0x30] =	vst v5;
	v5 =	vnsel vm13, $0xFFFFFFFF, v13;
	v13 =	vtrunc.f32 v22;
	v22 =	vmul.f32 v58, v0  }
0x213: {  	[tilespmem:s21+$0xFFFFE0E0] =	vst v55;
	vm1 =	vlt.u32 v37, $0x640;
	v54 =	vld [tilespmem:s24+$0xFFFFE0D0];
	v58 =	vcvt.f32.s32 v14;
	v55 =	vtrunc.f32 v21  }
0x214: {  	v53 =	vimm.s32 $0x0;
	v62 =	vld [tilespmem:s24+$0xFFFFE0E0];
	[tilespmem:s21+$0xFFFFE0F0] =	vst v5;
	v21 =	vmul.f32 v57, v0;
	v57 =	vtrunc.f32 v40  }
0x215: {  	v5 =	vnsel vm9, $0xFFFFFFFF, v8;
	v40 =	vcvt.f32.s32 v9;
	v56 =	vtrunc.f32 v22;
	v22 =	vld [tilespmem:s24+$0xFFFFE120];
	[tilespmem:s21+$0x1FA0] =	vst v3  }
0x216: {  	v3 =	vmul.f32 v12, v0;
	[tilespmem:s21+$0x60] =	vst v2;
	v2 =	vnsel vm8, $0xFFFFFFFF, v10;
	v8 =	vtrunc.f32 v21  }
0x217: {  	v21 =	vmul.f32 v59, v0;
	[tilespmem:s21+$0xFFFFE120] =	vst v2;
	v2 =	vnsel vm5, $0xFFFFFFFF, v15;
	v15 =	vcvt.f32.s32 v43  }
0x218: {  	[tilespmem:s21+$0x1F80] =	vst v5;
	vm9 =	vlt.u32 v58, $0x580;
	v43 =	vtrunc.f32 v29;
	v5 =	vmul.f32 v54, v0  }
0x219: {  	vm13 =	vlt.u32 v40, $0x580;
	v52 =	vtrunc.f32 v3;
	v29 =	vcvt.f32.s32 v8  }
0x21a: {  	v3 =	vimm.s32 $0x0;
	v54 =	vtrunc.f32 v21;
	v21 =	vmul.f32 v62, v0  }
0x21b: {  	[tilespmem:s22+$0x70] =	vst v2;
	v2 =	vimm.s32 $0x0;
	v4 =	vmul.f32 v22, v0;
	v22 =	vcvt.f32.s32 v17  }
0x21c: {  	v8 =	vcvt.f32.s32 v6;
	v3 =	vsel vm1, $0xFFFFFFFF, v3;
	v62 =	vtrunc.f32 v31  }
0x21d: {  	v50 =	vtrunc.f32 v21;
	v21 =	vcvt.f32.s32 v19;
	vm1 =	vlt.u32 v22, $0x640  }
0x21e: {  	v52 =	vcvt.f32.s32 v52;
	v31 =	vcvt.f32.s32 v55;
	v2 =	vsel vm1, $0xFFFFFFFF, v2  }
0x21f: {  	v7 =	vtrunc.f32 v5;
	vm1 =	vlt.u32 v21, $0x640;
	[tilespmem:$0x1FBC0] =	vst v2;
	v2 =	vimm.s32 $0x0  }
0x220: {  	v5 =	vmul.f32 v63, v0;
	[tilespmem:$0x1FBB0] =	vst v3;
	v3 =	vcvt.f32.s32 v49;
	v2 =	vsel vm1, $0xFFFFFFFF, v2  }
0x221: {  	v19 =	vcvt.f32.s32 v33;
	vm1 =	vlt.u32 v20, $0x640;
	[tilespmem:$0x1FBD0] =	vst v2;
	v2 =	vimm.s32 $0x0  }
0x222: {  	v63 =	vtrunc.f32 v34;
	v17 =	vcvt.f32.s32 v39;
	v2 =	vsel vm1, $0xFFFFFFFF, v2  }
0x223: {  	v33 =	vtrunc.f32 v23;
	vm1 =	vlt.u32 v19, $0x640;
	[tilespmem:$0x1FBE0] =	vst v2;
	v2 =	vimm.s32 $0x0  }
0x224: {  	v23 =	vimm.s32 $0x0;
	v10 =	vtrunc.f32 v4;
	v2 =	vsel vm1, $0xFFFFFFFF, v2  }
0x225: {  	v4 =	vnsel vm5, $0xFFFFFFFF, v16;
	vm1 =	vlt.u32 v18, $0x640;
	[tilespmem:$0x1FBF0] =	vst v2;
	v2 =	vimm.s32 $0x0  }
0x226: {  	v16 =	vcvt.f32.s32 v41;
	v2 =	vsel vm1, $0xFFFFFFFF, v2;
	vm1 =	vlt.u32 v17, $0x640  }
0x227: {  	v11 =	vtrunc.f32 v5;
	v5 =	vmul.f32 v61, v0;
	v23 =	vsel vm1, $0xFFFFFFFF, v23  }
0x228: {  	vm8 =	vlt.u32 v29, $0x580;
	vm1 =	vlt.u32 v16, $0x640;
	[tilespmem:$0x1FC10] =	vst v23;
	v23 =	vimm.s32 $0x0  }
0x229: {  	v35 =	vcvt.f32.s32 v62;
	v12 =	vtrunc.f32 v5;
	v23 =	vsel vm1, $0xFFFFFFFF, v23  }
0x22a: {  	v5 =	vcvt.f32.s32 v46;
	vm1 =	vlt.u32 v15, $0x640;
	[tilespmem:$0x1FC20] =	vst v23;
	v23 =	vimm.s32 $0x0  }
0x22b: {  	v34 =	vcvt.f32.s32 v32;
	v32 =	vcvt.f32.s32 v60;
	[tilespmem:s22+$0x1FB0] =	vst v4;
	v23 =	vsel vm1, $0xFFFFFFFF, v23  }
0x22c: {  	v4 =	vcvt.f32.s32 v48;
	vm1 =	vlt.u32 v5, $0x640;
	[tilespmem:$0x1FC30] =	vst v23;
	v23 =	vimm.s32 $0x0  }
0x22d: {  	vm2 =	vlt.u32 v8, $0x580;
	v49 =	vimm.s32 $0x0;
	v23 =	vsel vm1, $0xFFFFFFFF, v23  }
0x22e: {  	v60 =	vimm.s32 $0x0;
	vm1 =	vlt.u32 v4, $0x640;
	[tilespmem:$0x1FC40] =	vst v23;
	v23 =	vimm.s32 $0x0  }
0x22f: {  	v39 =	vtrunc.f32 v25;
	v25 =	vcvt.f32.s32 v54;
	[tilespmem:$0x1FC00] =	vst v2;
	v23 =	vsel vm1, $0xFFFFFFFF, v23  }
0x230: {  	v2 =	vcvt.f32.s32 v51;
	vm1 =	vlt.u32 v3, $0x640;
	[tilespmem:$0x1FC50] =	vst v23;
	v23 =	vimm.s32 $0x0  }
0x231: {  	v24 =	vcvt.f32.s32 v7;
	v54 =	vcvt.f32.s32 v36;
	v23 =	vsel vm1, $0xFFFFFFFF, v23  }
0x232: {  	v61 =	vtrunc.f32 v38;
	vm1 =	vlt.u32 v2, $0x640;
	[tilespmem:$0x1FC60] =	vst v23;
	v23 =	vimm.s32 $0x0  }
0x233: {  	v55 =	vcvt.f32.s32 v39;
	v38 =	vcvt.f32.s32 v43;
	v23 =	vsel vm1, $0xFFFFFFFF, v23  }
0x234: {  	v62 =	vld [tilespmem:$0x1FBA0];
	vm15 =	vlt.u32 v52, $0x580;
	v41 =	vtrunc.f32 v26;
	[tilespmem:$0x1FC70] =	vst v23;
	v23 =	vcvt.f32.s32 v50  }
0x235: {  	vm12 =	vlt.u32 v31, $0x580;
	v50 =	vcvt.f32.s32 v33;
	v33 =	vcvt.f32.s32 v63;
	v63 =	vld [tilespmem:$0x1FBB0]  }
0x236: {  	vm15 =	vmand vm15, vm0;
	v26 =	vcvt.f32.s32 v56;
	v46 =	vtrunc.f32 v30  }
0x237: {  	v9 =	vcvt.f32.s32 v11;
	vm5 =	vlt.u32 v25, $0x580;
	v36 =	vcvt.f32.s32 v46;
	v46 =	vld [tilespmem:$0x1FBC0]  }
0x238: {  	vm6 =	vlt.u32 v24, $0x580;
	v14 =	vcvt.f32.s32 v61;
	v11 =	vcvt.f32.s32 v44  }
0x239: {  	v44 =	vimm.s32 $0x0;
	v30 =	vcvt.f32.s32 v13;
	vm14 =	vnez.u8 v62;
	v48 =	vld [tilespmem:$0x1FBD0]  }
0x23a: {  	v6 =	vcvt.f32.s32 v10;
	vm10 =	vmand vm10, vm14;
	vm14 =	vnez.u8 v63  }
0x23b: {  	v39 =	vcvt.f32.s32 v41;
	v13 =	vcvt.f32.s32 v57;
	v51 =	vld [tilespmem:$0x1FBE0];
	vm9 =	vmand vm9, vm14  }
0x23c: {  	v10 =	vcvt.f32.s32 v47;
	v41 =	vsel vm9, $0xFFFFFFFF, v44;
	vm9 =	vnez.u8 v46  }
0x23d: {  	v47 =	vimm.s32 $0x0;
	v57 =	vimm.s32 $0x0;
	v56 =	vld [tilespmem:$0x1FBF0];
	vm9 =	vmand vm13, vm9  }
0x23e: {  	v7 =	vcvt.f32.s32 v12;
	[tilespmem:$0x1FC80] =	vst v41;
	v41 =	vsel vm9, $0xFFFFFFFF, v47;
	vm9 =	vnez.u8 v48  }
0x23f: {  	vm7 =	vlt.u32 v26, $0x580;
	vm3 =	vlt.u32 v9, $0x580;
	v59 =	vld [tilespmem:$0x1FC00];
	vm9 =	vmand vm12, vm9  }
0x240: {  	vm11 =	vlt.u32 v30, $0x580;
	[tilespmem:$0x1FC90] =	vst v41;
	v41 =	vsel vm9, $0xFFFFFFFF, v49;
	vm9 =	vnez.u8 v51  }
0x241: {  	v12 =	vcvt.f32.s32 v42;
	v62 =	vimm.s32 $0x0;
	v61 =	vld [tilespmem:$0x1FC10];
	vm9 =	vmand vm11, vm9  }
0x242: {  	vm0 =	vlt.u32 v7, $0x580;
	[tilespmem:$0x1FCA0] =	vst v41;
	v41 =	vsel vm9, $0xFFFFFFFF, v53;
	vm9 =	vnez.u8 v56  }
0x243: {  	vm1 =	vlt.u32 v6, $0x580;
	vm4 =	vlt.u32 v23, $0x580;
	v63 =	vld [tilespmem:$0x1FC20];
	vm8 =	vmand vm8, vm9  }
0x244: {  	vm14 =	vlt.u32 v12, $0x28;
	[tilespmem:$0x1FCB0] =	vst v41;
	v41 =	vsel vm8, $0xFFFFFFFF, v57;
	vm8 =	vnez.u8 v59  }
0x245: {  	v44 =	vimm.s32 $0x0;
	v46 =	vld [tilespmem:$0x1FC30];
	vm13 =	vlt.u32 v13, $0x28;
	vm7 =	vmand vm7, vm8  }
0x246: {  	v47 =	vimm.s32 $0x0;
	[tilespmem:$0x1FCC0] =	vst v41;
	v41 =	vsel vm7, $0xFFFFFFFF, v60;
	vm7 =	vnez.u8 v61  }
0x247: {  	v48 =	vld [tilespmem:$0x1FC40];
	vm12 =	vlt.u32 v14, $0x28;
	v49 =	vimm.s32 $0x0;
	vm5 =	vmand vm5, vm7  }
0x248: {  	vm11 =	vlt.u32 v10, $0x28;
	[tilespmem:$0x1FCD0] =	vst v41;
	v41 =	vsel vm5, $0xFFFFFFFF, v62;
	vm5 =	vnez.u8 v63  }
0x249: {  	v51 =	vld [tilespmem:$0x1FC50];
	v53 =	vimm.s32 $0x0;
	vm9 =	vlt.u32 v32, $0x28;
	vm5 =	vmand vm6, vm5  }
0x24a: {  	v56 =	vld [tilespmem:$0x1FC60];
	v57 =	vimm.s32 $0x0;
	[tilespmem:$0x1FCE0] =	vst v41;
	v41 =	vsel vm5, $0xFFFFFFFF, v44;
	vm5 =	vnez.u8 v46  }
0x24b: {  	vm8 =	vlt.u32 v33, $0x28;
	v60 =	vimm.s32 $0x0;
	vm4 =	vmand vm4, vm5  }
0x24c: {  	v59 =	vld [tilespmem:$0x1FC70];
	v61 =	vimm.s32 $0x0;
	[tilespmem:$0x1FCF0] =	vst v41;
	v41 =	vsel vm4, $0xFFFFFFFF, v47;
	vm4 =	vnez.u8 v48  }
0x24d: {  	vm7 =	vlt.u32 v34, $0x28;
	v62 =	vld [tilespmem:$0x1FC80];
	vm6 =	vlt.u32 v35, $0x28;
	vm3 =	vmand vm3, vm4  }
0x24e: {  	v63 =	vld [tilespmem:$0x1FC90];
	vm5 =	vlt.u32 v36, $0x28;
	[tilespmem:$0x1FD00] =	vst v41;
	v41 =	vsel vm3, $0xFFFFFFFF, v49;
	vm3 =	vnez.u8 v51  }
0x24f: {  	v44 =	vld [tilespmem:$0x1FCA0];
	vm4 =	vlt.u32 v38, $0x28;
	vm2 =	vmand vm2, vm3;
	vm3 =	vnez.u8 v56  }
0x250: {  	v46 =	vld [tilespmem:$0x1FCB0];
	[tilespmem:$0x1FD10] =	vst v41;
	v41 =	vsel vm2, $0xFFFFFFFF, v53;
	vm2 =	vlt.u32 v50, $0x28;
	vm0 =	vmand vm0, vm3  }
0x251: {  	v47 =	vld [tilespmem:$0x1FCC0];
	vm3 =	vlt.u32 v39, $0x28;
	[tilespmem:$0x1FD20] =	vst v41;
	v41 =	vsel vm0, $0xFFFFFFFF, v57;
	vm0 =	vnez.u8 v59  }
0x252: {  	v48 =	vld [tilespmem:$0x1FCD0];
	vm2 =	vmand vm15, vm2;
	vm15 =	vlt.u32 v11, $0x28;
	vm0 =	vmand vm1, vm0  }
0x253: {  	v49 =	vld [tilespmem:$0x1FCE0];
	[tilespmem:$0x1FD30] =	vst v41;
	vm1 =	vlt.u32 v55, $0x28;
	v41 =	vsel vm0, $0xFFFFFFFF, v60;
	vm0 =	vlt.u32 v54, $0x28  }
0x254: {  	v51 =	vld [tilespmem:$0x1FCF0];
	v59 =	vnsel vm2, $0xFFFFFFFF, v52;
	vm0 =	vmand vm10, vm0;
	vm10 =	vnez.u8 v62  }
0x255: {  	v53 =	vld [tilespmem:$0x1FD00];
	v27 =	vnsel vm2, $0xFFFFFFFF, v27;
	[tilespmem:$0x1FD40] =	vst v41;
	v41 =	vsel vm11, $0xFFFFFFFF, v61;
	vm1 =	vmand vm10, vm1  }
0x256: {  	v56 =	vld [tilespmem:$0x1FD10];
	vm10 =	vnez.u8 v63;
	v63 =	vnsel vm2, $0xFFFFFFFF, v50;
	v43 =	vnsel vm0, $0xFFFFFFFF, v28  }
0x257: {  	v57 =	vld [tilespmem:$0x1FD20];
	v42 =	vnsel vm0, $0xFFFFFFFF, v54;
	vm11 =	vmand vm10, vm3;
	vm3 =	vnez.u8 v44  }
0x258: {  	v60 =	vld [tilespmem:$0x1FD30];
	v44 =	vnsel vm0, $0xFFFFFFFF, v45;
	vm10 =	vmand vm3, vm4;
	vm3 =	vnez.u8 v46  }
0x259: {  	[tilespmem:$0x1FD50] =	vst v41;
	v61 =	vld [tilespmem:$0x1FD40];
	v41 =	vnsel vm1, $0xFFFFFFFF, v58;
	vm3 =	vmand vm3, vm5;
	vm5 =	vnez.u8 v48  }
0x25a: {  	s23 =	sadd.s32 $0x10, s23;
	v62 =	vld [tilespmem:$0x1FD50];
	vm4 =	vnez.u8 v47;
	vm7 =	vmand vm5, vm7;
	vm5 =	vnez.u8 v49  }
0x25b: {  	p1 =	slt.u32 s23, $0x1E0;
	vm4 =	vmand vm4, vm6;
	vm6 =	vmand vm5, vm8;
	vm8 =	vnez.u8 v53  }
.Ltmp7:
0x25c: {  	v37 =	vnsel vm1, $0xFFFFFFFF, v37;
	vm12 =	vmand vm8, vm12;
	vm8 =	vnez.u8 v56;
	(pc) =	sbr.rel @p1 .LBB2_8-.Ltmp7, $4  }
0x25d: {  	vm5 =	vnez.u8 v51;
	vm13 =	vmand vm8, vm13;
	vm8 =	vnez.u8 v57  }
0x25e: {  	[tilespmem:s22+$0x1EC0] =	vst v59;
	vm5 =	vmand vm5, vm9;
	vm9 =	vmand vm8, vm14;
	vm8 =	vnez.u8 v60  }
0x25f: {  	[tilespmem:s22+$0xFFFFFF80] =	vst v27;
	vm14 =	vnez.u8 v62;
	vm15 =	vmand vm8, vm15;
	vm8 =	vnez.u8 v61  }
0x260: {  	s25 =	simm.s32 $0x0;
	s24 =	sadd.s32 $0x100, s24;
	s21 =	smov.u32 s22;
	[tilespmem:s22+$0xFFFFE040] =	vst v63;
	v28 =	vnsel vm1, $0xFFFFFFFF, v55;
	v27 =	vnsel vm11, $0xFFFFFFFF, v40;
	vm8 =	vmand vm8, vm14  }
0x261: {  	[tilespmem:s22+$0x1ED0] =	vst v44  }
0x262: {  	[tilespmem:s22+$0xFFFFFF90] =	vst v43  }
0x263: {  	[tilespmem:s22+$0xFFFFE050] =	vst v42  }
0x264: {  	[tilespmem:s22+$0x1EE0] =	vst v41  }
0x265: {  	[tilespmem:s22+$0xFFFFFFA0] =	vst v37  }
0x266: {  	[tilespmem:s22+$0xFFFFE060] =	vst v28  }
0x267: {  	v22 =	vnsel vm11, $0xFFFFFFFF, v22;
	[tilespmem:s22+$0x1EF0] =	vst v27  }
0x268: {  	v46 =	vnsel vm11, $0xFFFFFFFF, v39;
	[tilespmem:s22+$0xFFFFFFB0] =	vst v22  }
0x269: {  	v47 =	vnsel vm10, $0xFFFFFFFF, v31;
	[tilespmem:s22+$0xFFFFE070] =	vst v46  }
0x26a: {  	v21 =	vnsel vm10, $0xFFFFFFFF, v21;
	[tilespmem:s22+$0x1F00] =	vst v47  }
0x26b: {  	v48 =	vnsel vm10, $0xFFFFFFFF, v38;
	[tilespmem:s22+$0xFFFFFFC0] =	vst v21  }
0x26c: {  	v49 =	vnsel vm3, $0xFFFFFFFF, v30;
	[tilespmem:s22+$0xFFFFE080] =	vst v48  }
0x26d: {  	v20 =	vnsel vm3, $0xFFFFFFFF, v20;
	[tilespmem:s22+$0x1F10] =	vst v49  }
0x26e: {  	v50 =	vnsel vm3, $0xFFFFFFFF, v36;
	[tilespmem:s22+$0xFFFFFFD0] =	vst v20  }
0x26f: {  	v51 =	vnsel vm4, $0xFFFFFFFF, v29;
	[tilespmem:s22+$0xFFFFE090] =	vst v50  }
0x270: {  	v53 =	vnsel vm7, $0xFFFFFFFF, v26;
	[tilespmem:s22+$0x1F20] =	vst v51  }
0x271: {  	v18 =	vnsel vm7, $0xFFFFFFFF, v18;
	[tilespmem:s21+$0x1F30] =	vst v53  }
0x272: {  	v54 =	vnsel vm7, $0xFFFFFFFF, v34;
	[tilespmem:s21+$0xFFFFFFF0] =	vst v18  }
0x273: {  	v55 =	vnsel vm6, $0xFFFFFFFF, v25;
	[tilespmem:s21+$0xFFFFE0B0] =	vst v54  }
0x274: {  	v17 =	vnsel vm6, $0xFFFFFFFF, v17;
	[tilespmem:s21+$0x1F40] =	vst v55  }
0x275: {  	v56 =	vnsel vm6, $0xFFFFFFFF, v33;
	[tilespmem:s21+$0x0] =	vst v17  }
0x276: {  	v57 =	vnsel vm5, $0xFFFFFFFF, v24;
	[tilespmem:s21+$0xFFFFE0C0] =	vst v56  }
0x277: {  	v16 =	vnsel vm5, $0xFFFFFFFF, v16;
	[tilespmem:s21+$0x1F50] =	vst v57  }
0x278: {  	v58 =	vnsel vm5, $0xFFFFFFFF, v32;
	[tilespmem:s21+$0x10] =	vst v16  }
0x279: {  	v59 =	vnsel vm12, $0xFFFFFFFF, v23;
	[tilespmem:s21+$0xFFFFE0D0] =	vst v58  }
0x27a: {  	v15 =	vnsel vm12, $0xFFFFFFFF, v15;
	[tilespmem:s21+$0x1F60] =	vst v59  }
0x27b: {  	v14 =	vnsel vm12, $0xFFFFFFFF, v14;
	[tilespmem:s21+$0x20] =	vst v15  }
0x27c: {  	v9 =	vnsel vm13, $0xFFFFFFFF, v9;
	[tilespmem:s21+$0xFFFFE0E0] =	vst v14  }
0x27d: {  	v5 =	vnsel vm13, $0xFFFFFFFF, v5;
	[tilespmem:s21+$0x1F70] =	vst v9  }
0x27e: {  	v60 =	vnsel vm13, $0xFFFFFFFF, v13;
	[tilespmem:s21+$0x30] =	vst v5  }
0x27f: {  	v61 =	vnsel vm9, $0xFFFFFFFF, v8;
	[tilespmem:s21+$0xFFFFE0F0] =	vst v60  }
0x280: {  	v4 =	vnsel vm9, $0xFFFFFFFF, v4;
	[tilespmem:s21+$0x1F80] =	vst v61  }
0x281: {  	v62 =	vnsel vm9, $0xFFFFFFFF, v12;
	[tilespmem:s21+$0x40] =	vst v4  }
0x282: {  	v63 =	vnsel vm15, $0xFFFFFFFF, v7;
	[tilespmem:s21+$0xFFFFE100] =	vst v62  }
0x283: {  	v3 =	vnsel vm15, $0xFFFFFFFF, v3;
	[tilespmem:s21+$0x1F90] =	vst v63  }
0x284: {  	v2 =	vnsel vm8, $0xFFFFFFFF, v2;
	[tilespmem:s21+$0x50] =	vst v3  }
0x285: {  	v19 =	vnsel vm4, $0xFFFFFFFF, v19;
	[tilespmem:s21+$0x60] =	vst v2  }
0x286: {  	v52 =	vnsel vm4, $0xFFFFFFFF, v35;
	[tilespmem:s21+$0xFFFFFFE0] =	vst v19  }
0x287: {  	v3 =	vnsel vm15, $0xFFFFFFFF, v11;
	[tilespmem:s21+$0xFFFFE0A0] =	vst v52  }
0x288: {  	v2 =	vnsel vm8, $0xFFFFFFFF, v10;
	[tilespmem:s21+$0xFFFFE110] =	vst v3  }
0x289: {  	v3 =	vnsel vm8, $0xFFFFFFFF, v6;
	[tilespmem:s21+$0xFFFFE120] =	vst v2  }
0x28a: {  	[tilespmem:s21+$0x1FA0] =	vst v3  }
.LBB2_10:
0x28b: {  	s21 =	sshra.s32 s25, $0x2  }
0x28c: {  	v2 =	vld [tilespmem:s21+$0x7CC0]  }
0x28d: {  	v3 =	vld [tilespmem:s21+$0x9C00]  }
0x28e: {  	v4 =	vld [tilespmem:s21+$0xBB40];
	_ =	sdelay $0x3  }
0x28f: {  	v3 =	vadd.f32 $4.000000000e+01, v3  }
0x290: {  	v2 =	vmul.f32 v2, v0;
	v4 =	vadd.f32 $3.000000000e+00, v4  }
0x291: {  	v3 =	vmul.f32 v3, v0  }
0x292: {  	v2 =	vtrunc.f32 v2;
	v4 =	vmul.f32 v4, v1  }
0x293: {  	v2 =	vcvt.f32.s32 v2;
	v3 =	vtrunc.f32 v3  }
0x294: {  	v4 =	vtrunc.f32 v4;
	v3 =	vcvt.f32.s32 v3  }
0x295: {  	v4 =	vcvt.f32.s32 v4  }
0x296: {  	vm0 =	vlt.u32 v2, $0x580;
	vm1 =	vlt.u32 v3, $0x640  }
0x297: {  	p1 =	sne.s32 s25, $0xC0;
	vm15 =	vlt.u32 v4, $0x28;
	vm0 =	vmand vm0, vm1  }
.Ltmp8:
0x298: {  	vm0 =	vmand vm0, vm15;
	(pc) =	sbr.rel @p1 .LBB2_10-.Ltmp8, $4  }
0x299: {  	v2 =	vnsel vm0, $0xFFFFFFFF, v2  }
0x29a: {  	[tilespmem:s21+$0x176C0] =	vst v2;
	v2 =	vnsel vm0, $0xFFFFFFFF, v3  }
0x29b: {  	[tilespmem:s21+$0x15780] =	vst v2;
	v2 =	vnsel vm0, $0xFFFFFFFF, v4  }
0x29c: {  	s25 =	sadd.s32 $0x40, s25;
	[tilespmem:s21+$0x13840] =	vst v2  }
0x29d: {  	s21 =	smul.u32 $0x3E8, s20  }
0x29e: {  	p1 =	sgt.u32 s20, $0x3C  }
0x29f: {  	s20 =	smul.u32 @!p1 $0x1F40, s20;
	s21 =	sadd.s32 s5, s21  }
0x2a0: {  	[hbm4b:s21+s10] =	stream.strided.scatter [tilespmem:s16], [sflag:$0x4], $0x5DC0, s11, s10, $0x38;
	[tilespmem:$0x17700] =	vst v63  }
.Ltmp9:
0x2a1: {  	_ = 	snop;
	(pc) =	sbr.rel .LBB2_12-.Ltmp9, $4  }
0x2a2: {  	s20 =	sshrl.u32 @!p1 s20, $0x3  }
0x2a3: {  	s22 =	simm.s32 @!p1 $0xF4240;
	s20 =	sadd.s32 @!p1 s1, s20  }
0x2a4: {  	s23 =	simm.s32 @!p1 $0x5DC0;
	s21 =	simm.s32 @!p1 $0x1F40;
	s20 =	sadd.s32 @!p1 $0xFA00, s20  }
0x2a5: {  	[tilespmem:s23], [sflag:$0x2] =	stream.strided.gather @!p1 [hbm4b:s20+s21], $0x5DC0, s22, s21, $0x38;
	[tilespmem:$0x17700] =	vst v63  }
.LBB2_14:
0x2a6: {  	_ =	sfence.sel $0x180000  }
0x2a7: {  	[bflag:$0x0] =	sbarrier.arrive $0xFFFF  }
0x2a8: {  	p0 =	sne.s32 s2, $0x0;
	_ =	strace $0x90000047  }
0x2a9: {  	s0 =	sadd.s32 @!p0 $0x100000, s0;
	[bflag:$0x2] =	sbarrier.arrive $0xFFFF  }
0x2aa: {  	[sflag:s0] =	ssyncadd.tile.s32 @!p0 $0x1;
	_ =	shalt  }
.Lfunc_end2:
_tile_overlayer_lowered:
.L_overlay_start_2:
0x2ab: {  	(tag) =	ssettag $0x2  }
0x2ac: {  	s0 =	rddreg [dreg:$0x0];
	s2 =	stileid.u32  }
0x2ad: {  	s1 =	rddreg [dreg:$0x1];
	p0 =	sne.s32 s2, $0x0  }
0x2ae: {  	s3 =	rddreg [dreg:$0x2];
	[bflag:$0x3] =	sbarrier.arrive $0xFFFF;
	s2 =	simm.s32 @!p0 $0x1C05  }
0x2af: {  	[timem:s3], [sflag:s2] =	dma.local @!p0 [hbm:s0], s1  }
0x2b0: {  	s0 =	simm.s32 @!p0 $0x5  }
0x2b1: {  	_ =	swait.ge @!p0 [sflag:s0], s1  }
0x2b2: {  	s1 =	ssub.s32 @!p0 $0x0, s1;
	[sflag:s0] =	ssyncset.done @!p0 $0x0  }
0x2b3: {  	[sflag:s0] =	ssyncadd.s32 @!p0 s1  }
0x2b4: {  	[bflag:$0x3] =	sbarrier.arrive $0xFFFF  }
0x2b5: {  	_ =	shalt  }

</sc_bundles>
